<compile_context>
chip_gen: v7x
topology: tpu7x:2x2x1
jax: 0.10.2.dev20260603
libtpu: 0.0.44.dev20260713+nightly
codegen_flags: <defaults>
</compile_context>

<pallas_src>
import functools

import jax
import jax.numpy as jnp
from jax import lax
from jax.experimental import pallas as pl
from jax.experimental.pallas import tpu as pltpu
from jax.experimental.pallas import tpu_sc as plsc

N = 10000
E = 320000
D = 128
DC = 16

NC = 2
NS = 16
NW = NC * NS
EPW = E // NW
B = 80
NCHUNK = EPW // B
RPS = N // NS
ZR = 25


def _sc_agg_body(with_cnt, feat_hbm, edge_hbm, *refs):
  if with_cnt:
    (out_hbm, outc_hbm, srcv, dstbuf, rows, zbuf, zbufc, ones, acc, accc,
     gsems, ssems, dsems, csems) = refs
  else:
    (out_hbm, srcv, dstbuf, rows, zbuf, acc, gsems, ssems, dsems) = refs
  c = lax.axis_index("c")
  s = lax.axis_index("s")
  w = c * NS + s
  ebase = w * EPW

  zv = jnp.zeros((16,), jnp.float32)

  def zrow(i, carry):
    for col in range(D // 16):
      zbuf[i, pl.ds(col * 16, 16)] = zv
    return carry

  lax.fori_loop(0, ZR, zrow, 0)

  def zslab(i, carry):
    pltpu.sync_copy(zbuf, acc.at[pl.ds(s * RPS + i * ZR, ZR)])
    return carry

  lax.fori_loop(0, RPS // ZR, zslab, 0)

  if with_cnt:
    onev = jnp.where(lax.iota(jnp.int32, 16) == 0, 1.0, 0.0).astype(
        jnp.float32)

    def zrowc(i, carry):
      zbufc[i, :] = zv
      return carry

    lax.fori_loop(0, ZR, zrowc, 0)

    def onerow(i, carry):
      ones[i, :] = onev
      return carry

    lax.fori_loop(0, B, onerow, 0)

    def zslabc(i, carry):
      pltpu.sync_copy(zbufc, accc.at[pl.ds(s * RPS + i * ZR, ZR)])
      return carry

    lax.fori_loop(0, RPS // ZR, zslabc, 0)

  plsc.subcore_barrier()

  pltpu.sync_copy(edge_hbm.at[pl.ds(ebase, EPW)], srcv)

  def gather(j, p):
    return pltpu.make_async_copy(feat_hbm.at[srcv.at[pl.ds(j * B, B)]],
                                 rows.at[p], gsems.at[p])

  def dstload(j, p):
    return pltpu.make_async_copy(edge_hbm.at[pl.ds(E + ebase + j * B, B)],
                                 dstbuf.at[p], dsems.at[p])

  def scat(p):
    return pltpu.make_async_copy(rows.at[p], acc.at[dstbuf.at[p]],
                                 ssems.at[p])

  def scatc(p):
    return pltpu.make_async_copy(ones, accc.at[dstbuf.at[p]], csems.at[p])

  dstload(0, 0).start()
  gather(0, 0).start()
  dstload(1, 1).start()
  gather(1, 1).start()
  gather(0, 0).wait()
  dstload(0, 0).wait()
  scat(0).start(add=True)
  if with_cnt:
    scatc(0).start(add=True)

  def step(j, carry):
    p = lax.rem(j, 2)
    q = lax.rem(j + 1, 2)
    scat(q).wait()
    if with_cnt:
      scatc(q).wait()
    dstload(j + 1, q).start()
    gather(j + 1, q).start()
    gather(j, p).wait()
    dstload(j, p).wait()
    scat(p).start(add=True)
    if with_cnt:
      scatc(p).start(add=True)
    return carry

  lax.fori_loop(1, NCHUNK - 1, step, 0)
  last = NCHUNK - 1
  lp = last % 2
  lq = (last + 1) % 2
  scat(lq).wait()
  gather(last, lp).wait()
  dstload(last, lp).wait()
  scat(lp).start(add=True)
  scat(lp).wait()
  if with_cnt:
    scatc(lq).wait()
    scatc(lp).start(add=True)
    scatc(lp).wait()
  plsc.subcore_barrier()

  pltpu.sync_copy(acc.at[pl.ds(s * RPS, RPS)],
                  out_hbm.at[c, pl.ds(s * RPS, RPS)])
  if with_cnt:
    pltpu.sync_copy(accc.at[pl.ds(s * RPS, RPS)],
                    outc_hbm.at[c, pl.ds(s * RPS, RPS)])


def _make_sc_agg(with_cnt):
  mesh = plsc.VectorSubcoreMesh(core_axis_name="c", subcore_axis_name="s")
  out_type = [jax.ShapeDtypeStruct((NC, N, D), jnp.float32)]
  scratch = [
      pltpu.VMEM((EPW,), jnp.int32),
      pltpu.VMEM((2, B), jnp.int32),
      pltpu.VMEM((2, B, D), jnp.float32),
      pltpu.VMEM((ZR, D), jnp.float32),
  ]
  if with_cnt:
    out_type.append(jax.ShapeDtypeStruct((NC, N, DC), jnp.float32))
    scratch += [
        pltpu.VMEM((ZR, DC), jnp.float32),
        pltpu.VMEM((B, DC), jnp.float32),
    ]
  scratch.append(pltpu.VMEM_SHARED((N, D), jnp.float32))
  if with_cnt:
    scratch.append(pltpu.VMEM_SHARED((N, DC), jnp.float32))
  scratch += [pltpu.SemaphoreType.DMA((2,))] * (4 if with_cnt else 3)
  return pl.kernel(
      functools.partial(_sc_agg_body, with_cnt),
      out_type=out_type,
      mesh=mesh,
      scratch_types=scratch,
      compiler_params=pltpu.CompilerParams(use_tc_tiling_on_sc=False),
      name=f"sage_sc_agg_{'cnt' if with_cnt else 'plain'}",
  )


_sc_agg_l1 = _make_sc_agg(True)
_sc_agg_l2 = _make_sc_agg(False)


def _tc1_body(p_ref, pc_ref, x_ref, wl_ref, bl_ref, wr_ref, h_ref, ic_ref):
  feats = p_ref[0] + p_ref[1]
  cnt = pc_ref[0][:, 0:1] + pc_ref[1][:, 0:1]
  ic = 1.0 / jnp.maximum(cnt, 1.0)
  mean = feats * ic
  h = (jnp.dot(mean, wl_ref[...], preferred_element_type=jnp.float32)
       + bl_ref[...]
       + jnp.dot(x_ref[...], wr_ref[...], preferred_element_type=jnp.float32))
  h_ref[...] = jnp.maximum(h, 0.0)
  ic_ref[...] = ic


def _tc2_body(p_ref, ic_ref, h1_ref, w2l_ref, b2l_ref, w2r_ref,
              wc1_ref, bc1_ref, wc2_ref, bc2_ref, h2_ref, lg_ref):
  mean = (p_ref[0] + p_ref[1]) * ic_ref[...]
  h2 = (jnp.dot(mean, w2l_ref[...], preferred_element_type=jnp.float32)
        + b2l_ref[...]
        + jnp.dot(h1_ref[...], w2r_ref[...], preferred_element_type=jnp.float32))
  t = jnp.maximum(
      jnp.dot(h2, wc1_ref[...], preferred_element_type=jnp.float32)
      + bc1_ref[...], 0.0)
  lg_ref[...] = (jnp.dot(t, wc2_ref[...], preferred_element_type=jnp.float32)
                 + bc2_ref[...])
  h2_ref[...] = h2


_R = 2000


def _tc1(p1, pc1, x, wl, bl, wr):
  grid = (N // _R,)
  return pl.pallas_call(
      _tc1_body,
      grid=grid,
      in_specs=[
          pl.BlockSpec((NC, _R, D), lambda i: (0, i, 0)),
          pl.BlockSpec((NC, _R, DC), lambda i: (0, i, 0)),
          pl.BlockSpec((_R, D), lambda i: (i, 0)),
          pl.BlockSpec((D, D), lambda i: (0, 0)),
          pl.BlockSpec((1, D), lambda i: (0, 0)),
          pl.BlockSpec((D, D), lambda i: (0, 0)),
      ],
      out_specs=[
          pl.BlockSpec((_R, D), lambda i: (i, 0)),
          pl.BlockSpec((_R, 1), lambda i: (i, 0)),
      ],
      out_shape=[
          jax.ShapeDtypeStruct((N, D), jnp.float32),
          jax.ShapeDtypeStruct((N, 1), jnp.float32),
      ],
      name="sage_tc1",
  )(p1, pc1, x, wl, bl, wr)


def _tc2(p2, ic, h1, w2l, b2l, w2r, wc1, bc1, wc2, bc2):
  grid = (N // _R,)
  return pl.pallas_call(
      _tc2_body,
      grid=grid,
      in_specs=[
          pl.BlockSpec((NC, _R, D), lambda i: (0, i, 0)),
          pl.BlockSpec((_R, 1), lambda i: (i, 0)),
          pl.BlockSpec((_R, D), lambda i: (i, 0)),
          pl.BlockSpec((D, D), lambda i: (0, 0)),
          pl.BlockSpec((1, D), lambda i: (0, 0)),
          pl.BlockSpec((D, D), lambda i: (0, 0)),
          pl.BlockSpec((D, D), lambda i: (0, 0)),
          pl.BlockSpec((1, D), lambda i: (0, 0)),
          pl.BlockSpec((D, 2), lambda i: (0, 0)),
          pl.BlockSpec((1, 2), lambda i: (0, 0)),
      ],
      out_specs=[
          pl.BlockSpec((_R, D), lambda i: (i, 0)),
          pl.BlockSpec((_R, 2), lambda i: (i, 0)),
      ],
      out_shape=[
          jax.ShapeDtypeStruct((N, D), jnp.float32),
          jax.ShapeDtypeStruct((N, 2), jnp.float32),
      ],
      name="sage_tc2",
  )(p2, ic, h1, w2l, b2l, w2r, wc1, bc1, wc2, bc2)


def kernel(x, edge_index, W1l, b1l, W1r, W2l, b2l, W2r, Wc1, bc1, Wc2, bc2):
  edge_flat = edge_index.reshape(2 * E)
  p1, pc1 = _sc_agg_l1(x, edge_flat)
  h1, ic = _tc1(p1, pc1, x, W1l.T, b1l.reshape(1, D), W1r.T)
  p2, = _sc_agg_l2(h1, edge_flat)
  h2, logits = _tc2(p2, ic, h1, W2l.T, b2l.reshape(1, D), W2r.T,
                    Wc1.T, bc1.reshape(1, D), Wc2.T, bc2.reshape(1, 2))
  return (h2, logits)

# --- scband reference (transcript-rebuilt; emitter-appended) ---
"""Pipeline reference for scband-graph-sage-9663676416699 (READ-ONLY COPY).

The authoritative reference and input builder live on the scoring server;
editing this copy changes nothing except your own understanding.
"""

import jax, jax.numpy as jnp
import numpy as np

N = 10000
E = 320000
D_IN = 128
D_HID = 128
D_OUT = 128


def setup_inputs(seed: int = 0) -> dict:
    key = jax.random.key(seed)
    ks = jax.random.split(key, 12)
    x = jax.random.normal(ks[0], (N, D_IN), dtype=jnp.float32)
    edge_index = jax.random.randint(ks[1], (2, E), 0, N, dtype=jnp.int32)
    s = 0.05
    return {
        "x": x,
        "edge_index": edge_index,
        "W1l": jax.random.normal(ks[2], (D_HID, D_IN), dtype=jnp.float32) * s,
        "b1l": jnp.zeros((D_HID,), dtype=jnp.float32),
        "W1r": jax.random.normal(ks[3], (D_HID, D_IN), dtype=jnp.float32) * s,
        "W2l": jax.random.normal(ks[4], (D_OUT, D_HID), dtype=jnp.float32) * s,
        "b2l": jnp.zeros((D_OUT,), dtype=jnp.float32),
        "W2r": jax.random.normal(ks[5], (D_OUT, D_HID), dtype=jnp.float32) * s,
        "Wc1": jax.random.normal(ks[6], (D_HID, D_OUT), dtype=jnp.float32) * s,
        "bc1": jnp.zeros((D_HID,), dtype=jnp.float32),
        "Wc2": jax.random.normal(ks[7], (2, D_HID), dtype=jnp.float32) * s,
        "bc2": jnp.zeros((2,), dtype=jnp.float32),
    }


def _sage_conv(h, src, dst, Wl, bl, Wr):
    # PyG SAGEConv(aggr='mean'): out = lin_l(mean_{j in N(i)} x_j) + lin_r(x_i)
    msgs = h[src]                                    # gather source node feats per edge
    sums = jnp.zeros(h.shape, h.dtype).at[dst].add(msgs)   # scatter-add to dst
    cnt = jnp.zeros((h.shape[0],), h.dtype).at[dst].add(1.0)
    mean = sums / jnp.clip(cnt, 1.0)[:, None]
    return mean @ Wl.T + bl + h @ Wr.T


def reference(x, edge_index, W1l, b1l, W1r, W2l, b2l, W2r, Wc1, bc1, Wc2, bc2):
    src = edge_index[0]
    dst = edge_index[1]
    h = _sage_conv(x, src, dst, W1l, b1l, W1r)
    h = jax.nn.relu(h)
    h = _sage_conv(h, src, dst, W2l, b2l, W2r)
    logits = jax.nn.relu(h @ Wc1.T + bc1) @ Wc2.T + bc2
    return (h, logits)

if __name__ == "__main__":
    import jax
    _d = setup_inputs()
    print(jax.jit(kernel)(*tuple(_d.values())))

</pallas_src>

<mosaic_0001>
#map = affine_map<(d0, d1) -> (0, 0)>
#map1 = affine_map<(d0, d1) -> (0)>
#map2 = affine_map<(d0, d1) -> (0, 0, 0)>
module attributes {stable_mosaic.version = 14 : i64} {
  func.func @sage_sc_agg_cnt(%arg0: i32, %arg1: i32, %arg2: memref<10000x128xf32, #tpu.memory_space<hbm>>, %arg3: memref<640000xi32, #tpu.memory_space<hbm>>, %arg4: memref<2x10000x128xf32, #tpu.memory_space<hbm>>, %arg5: memref<2x10000x16xf32, #tpu.memory_space<hbm>>, %arg6: memref<10000xi32, #tpu.memory_space<vmem>>, %arg7: memref<2x80xi32, #tpu.memory_space<vmem>>, %arg8: memref<2x80x128xf32, #tpu.memory_space<vmem>>, %arg9: memref<25x128xf32, #tpu.memory_space<vmem>>, %arg10: memref<25x16xf32, #tpu.memory_space<vmem>>, %arg11: memref<80x16xf32, #tpu.memory_space<vmem>>, %arg12: memref<10000x128xf32, #tpu.memory_space<vmem_shared>>, %arg13: memref<10000x16xf32, #tpu.memory_space<vmem_shared>>, %arg14: memref<2x!tpu.dma_semaphore, #tpu.memory_space<semaphore_mem>>, %arg15: memref<2x!tpu.dma_semaphore, #tpu.memory_space<semaphore_mem>>, %arg16: memref<2x!tpu.dma_semaphore, #tpu.memory_space<semaphore_mem>>, %arg17: memref<2x!tpu.dma_semaphore, #tpu.memory_space<semaphore_mem>>) attributes {dimension_semantics = [#tpu.dimension_semantics<core_parallel>, #tpu.dimension_semantics<subcore_parallel>], iteration_bounds = array<i64: 2, 16>, scalar_prefetch = 0 : i64, scratch_operands = 12 : i64, tpu.core_type = #tpu.core_type<sc_vector_subcore>, window_params = [{transform_indices = #map}, {transform_indices = #map1}, {transform_indices = #map2}, {transform_indices = #map2}]} {
    %mul3A = arith.constant 16 : i32
    %mul3A_0 = arith.muli %arg0, %mul3A : i32
    %add3A = arith.addi %mul3A_0, %arg1 : i32
    %mul3A_1 = arith.constant 10000 : i32
    %mul3A_2 = arith.muli %add3A, %mul3A_1 : i32
    %broadcast_in_dim3A = arith.constant 0.000000e+00 : f32
    %broadcast_in_dim3A_3 = vector.broadcast %broadcast_in_dim3A : f32 to vector<16xf32>
    %scan3A = arith.constant 0 : i32
    %scan3A_4 = arith.constant 0 : i32
    %scan3A_5 = arith.constant 25 : i32
    %scan3A_6 = arith.addi %scan3A_4, %scan3A_5 : i32
    %scan3A_7 = arith.constant 1 : i32
    scf.for %scan3A_267 = %scan3A_4 to %scan3A_6 step %scan3A_7  : i32 {
      %swap3A = arith.index_cast %scan3A_267 : i32 to index
      %swap3A_268 = arith.constant 0 : index
      %swap3A_269 = tpu.vector_load %arg9[%swap3A, %swap3A_268] {strides = array<i32>} : memref<25x128xf32, #tpu.memory_space<vmem>>, vector<1x16xf32>,
      %swap3A_270 = vector.shape_cast %swap3A_269 : vector<1x16xf32> to vector<16xf32>
      %swap3A_271 = vector.shape_cast %broadcast_in_dim3A_3 : vector<16xf32> to vector<1x16xf32>
      tpu.vector_store %arg9[%swap3A, %swap3A_268], %swap3A_271 {strides = array<i32>} : memref<25x128xf32, #tpu.memory_space<vmem>>, vector<1x16xf32>,
      %swap3A_272 = arith.index_cast %scan3A_267 : i32 to index
      %swap3A_273 = arith.constant 16 : index
      %swap3A_274 = tpu.vector_load %arg9[%swap3A_272, %swap3A_273] {strides = array<i32>} : memref<25x128xf32, #tpu.memory_space<vmem>>, vector<1x16xf32>,
      %swap3A_275 = vector.shape_cast %swap3A_274 : vector<1x16xf32> to vector<16xf32>
      %swap3A_276 = vector.shape_cast %broadcast_in_dim3A_3 : vector<16xf32> to vector<1x16xf32>
      tpu.vector_store %arg9[%swap3A_272, %swap3A_273], %swap3A_276 {strides = array<i32>} : memref<25x128xf32, #tpu.memory_space<vmem>>, vector<1x16xf32>,
      %swap3A_277 = arith.index_cast %scan3A_267 : i32 to index
      %swap3A_278 = arith.constant 32 : index
      %swap3A_279 = tpu.vector_load %arg9[%swap3A_277, %swap3A_278] {strides = array<i32>} : memref<25x128xf32, #tpu.memory_space<vmem>>, vector<1x16xf32>,
      %swap3A_280 = vector.shape_cast %swap3A_279 : vector<1x16xf32> to vector<16xf32>
      %swap3A_281 = vector.shape_cast %broadcast_in_dim3A_3 : vector<16xf32> to vector<1x16xf32>
      tpu.vector_store %arg9[%swap3A_277, %swap3A_278], %swap3A_281 {strides = array<i32>} : memref<25x128xf32, #tpu.memory_space<vmem>>, vector<1x16xf32>,
      %swap3A_282 = arith.index_cast %scan3A_267 : i32 to index
      %swap3A_283 = arith.constant 48 : index
      %swap3A_284 = tpu.vector_load %arg9[%swap3A_282, %swap3A_283] {strides = array<i32>} : memref<25x128xf32, #tpu.memory_space<vmem>>, vector<1x16xf32>,
      %swap3A_285 = vector.shape_cast %swap3A_284 : vector<1x16xf32> to vector<16xf32>
      %swap3A_286 = vector.shape_cast %broadcast_in_dim3A_3 : vector<16xf32> to vector<1x16xf32>
      tpu.vector_store %arg9[%swap3A_282, %swap3A_283], %swap3A_286 {strides = array<i32>} : memref<25x128xf32, #tpu.memory_space<vmem>>, vector<1x16xf32>,
      %swap3A_287 = arith.index_cast %scan3A_267 : i32 to index
      %swap3A_288 = arith.constant 64 : index
      %swap3A_289 = tpu.vector_load %arg9[%swap3A_287, %swap3A_288] {strides = array<i32>} : memref<25x128xf32, #tpu.memory_space<vmem>>, vector<1x16xf32>,
      %swap3A_290 = vector.shape_cast %swap3A_289 : vector<1x16xf32> to vector<16xf32>
      %swap3A_291 = vector.shape_cast %broadcast_in_dim3A_3 : vector<16xf32> to vector<1x16xf32>
      tpu.vector_store %arg9[%swap3A_287, %swap3A_288], %swap3A_291 {strides = array<i32>} : memref<25x128xf32, #tpu.memory_space<vmem>>, vector<1x16xf32>,
      %swap3A_292 = arith.index_cast %scan3A_267 : i32 to index
      %swap3A_293 = arith.constant 80 : index
      %swap3A_294 = tpu.vector_load %arg9[%swap3A_292, %swap3A_293] {strides = array<i32>} : memref<25x128xf32, #tpu.memory_space<vmem>>, vector<1x16xf32>,
      %swap3A_295 = vector.shape_cast %swap3A_294 : vector<1x16xf32> to vector<16xf32>
      %swap3A_296 = vector.shape_cast %broadcast_in_dim3A_3 : vector<16xf32> to vector<1x16xf32>
      tpu.vector_store %arg9[%swap3A_292, %swap3A_293], %swap3A_296 {strides = array<i32>} : memref<25x128xf32, #tpu.memory_space<vmem>>, vector<1x16xf32>,
      %swap3A_297 = arith.index_cast %scan3A_267 : i32 to index
      %swap3A_298 = arith.constant 96 : index
      %swap3A_299 = tpu.vector_load %arg9[%swap3A_297, %swap3A_298] {strides = array<i32>} : memref<25x128xf32, #tpu.memory_space<vmem>>, vector<1x16xf32>,
      %swap3A_300 = vector.shape_cast %swap3A_299 : vector<1x16xf32> to vector<16xf32>
      %swap3A_301 = vector.shape_cast %broadcast_in_dim3A_3 : vector<16xf32> to vector<1x16xf32>
      tpu.vector_store %arg9[%swap3A_297, %swap3A_298], %swap3A_301 {strides = array<i32>} : memref<25x128xf32, #tpu.memory_space<vmem>>, vector<1x16xf32>,
      %swap3A_302 = arith.index_cast %scan3A_267 : i32 to index
      %swap3A_303 = arith.constant 112 : index
      %swap3A_304 = tpu.vector_load %arg9[%swap3A_302, %swap3A_303] {strides = array<i32>} : memref<25x128xf32, #tpu.memory_space<vmem>>, vector<1x16xf32>,
      %swap3A_305 = vector.shape_cast %swap3A_304 : vector<1x16xf32> to vector<16xf32>
      %swap3A_306 = vector.shape_cast %broadcast_in_dim3A_3 : vector<16xf32> to vector<1x16xf32>
      tpu.vector_store %arg9[%swap3A_302, %swap3A_303], %swap3A_306 {strides = array<i32>} : memref<25x128xf32, #tpu.memory_space<vmem>>, vector<1x16xf32>,
    }
    %scan3A_8 = arith.constant 25 : i32
    %scan3A_9 = arith.constant 0 : i32
    %scan3A_10 = arith.constant 0 : i32
    %scan3A_11 = arith.constant 25 : i32
    %scan3A_12 = arith.addi %scan3A_10, %scan3A_11 : i32
    %scan3A_13 = arith.constant 1 : i32
    scf.for %scan3A_267 = %scan3A_10 to %scan3A_12 step %scan3A_13  : i32 {
      %mul3A_268 = arith.constant 625 : i32
      %mul3A_269 = arith.muli %arg1, %mul3A_268 : i32
      %mul3A_270 = arith.constant 25 : i32
      %mul3A_271 = arith.muli %scan3A_267, %mul3A_270 : i32
      %add3A_272 = arith.addi %mul3A_269, %mul3A_271 : i32
      "tpu.region"() ({
        %run_scoped3A = tpu.sem_alloc : memref<!tpu.dma_semaphore, #tpu.memory_space<semaphore_mem>>
        %dma_start3A_273 = arith.constant 0 : i32
        %dma_start3A_274 = tpu.memref_slice %arg12[%add3A_272, %dma_start3A_273] : memref<10000x128xf32, #tpu.memory_space<vmem_shared>> -> memref<25x128xf32, #tpu.memory_space<vmem_shared>>
        %dma_start3A_275 = arith.constant 0 : i32
        %dma_start3A_276 = tpu.memref_slice %arg12[%add3A_272, %dma_start3A_275] : memref<10000x128xf32, #tpu.memory_space<vmem_shared>> -> memref<25x128xf32, #tpu.memory_space<vmem_shared>>
        tpu.enqueue_dma source(%arg9 : memref<25x128xf32, #tpu.memory_space<vmem>>) target(%dma_start3A_276 : memref<25x128xf32, #tpu.memory_space<vmem_shared>>) target_semaphore(%run_scoped3A : memref<!tpu.dma_semaphore, #tpu.memory_space<semaphore_mem>>)
        %dma_wait3A_277 = arith.constant 0 : i32
        %dma_wait3A_278 = tpu.memref_slice %arg12[%add3A_272, %dma_wait3A_277] : memref<10000x128xf32, #tpu.memory_space<vmem_shared>> -> memref<25x128xf32, #tpu.memory_space<vmem_shared>>
        %dma_wait3A_279 = arith.constant 0 : i32
        %dma_wait3A_280 = tpu.memref_slice %arg12[%add3A_272, %dma_wait3A_279] : memref<10000x128xf32, #tpu.memory_space<vmem_shared>> -> memref<25x128xf32, #tpu.memory_space<vmem_shared>>
        tpu.wait_dma2 semaphore(%run_scoped3A : memref<!tpu.dma_semaphore, #tpu.memory_space<semaphore_mem>>) src(%arg9 : memref<25x128xf32, #tpu.memory_space<vmem>>) dst(%dma_wait3A_280 : memref<25x128xf32, #tpu.memory_space<vmem_shared>>)
        tpu.yield
      }) : () -> ()
    }
    %scan3A_14 = arith.constant 25 : i32
    %iota3A = tpu.iota {dimensions = array<i32: 0>} : vector<16xi32>
    %eq3A = arith.constant 0 : i32
    %eq3A_15 = vector.broadcast %eq3A : i32 to vector<16xi32>
    %eq3A_16 = arith.cmpi eq, %iota3A, %eq3A_15 : vector<16xi32>
    %jit3A = arith.constant 1.000000e+00 : f32
    %jit3A_17 = arith.constant 0.000000e+00 : f32
    %broadcast_in_dim3A_18 = vector.broadcast %jit3A : f32 to vector<16xf32>
    %broadcast_in_dim3A_19 = vector.broadcast %jit3A_17 : f32 to vector<16xf32>
    %select_n3A = arith.select %eq3A_16, %broadcast_in_dim3A_18, %broadcast_in_dim3A_19 : vector<16xi1>, vector<16xf32>
    %scan3A_20 = arith.constant 0 : i32
    %scan3A_21 = arith.constant 0 : i32
    %scan3A_22 = arith.constant 25 : i32
    %scan3A_23 = arith.addi %scan3A_21, %scan3A_22 : i32
    %scan3A_24 = arith.constant 1 : i32
    scf.for %scan3A_267 = %scan3A_21 to %scan3A_23 step %scan3A_24  : i32 {
      %swap3A = arith.index_cast %scan3A_267 : i32 to index
      %swap3A_268 = arith.constant 0 : index
      %swap3A_269 = tpu.vector_load %arg10[%swap3A, %swap3A_268] {strides = array<i32>} : memref<25x16xf32, #tpu.memory_space<vmem>>, vector<1x16xf32>,
      %swap3A_270 = vector.shape_cast %swap3A_269 : vector<1x16xf32> to vector<16xf32>
      %swap3A_271 = vector.shape_cast %broadcast_in_dim3A_3 : vector<16xf32> to vector<1x16xf32>
      tpu.vector_store %arg10[%swap3A, %swap3A_268], %swap3A_271 {strides = array<i32>} : memref<25x16xf32, #tpu.memory_space<vmem>>, vector<1x16xf32>,
    }
    %scan3A_25 = arith.constant 25 : i32
    %scan3A_26 = arith.constant 0 : i32
    %scan3A_27 = arith.constant 0 : i32
    %scan3A_28 = arith.constant 80 : i32
    %scan3A_29 = arith.addi %scan3A_27, %scan3A_28 : i32
    %scan3A_30 = arith.constant 1 : i32
    scf.for %scan3A_267 = %scan3A_27 to %scan3A_29 step %scan3A_30  : i32 {
      %swap3A = arith.index_cast %scan3A_267 : i32 to index
      %swap3A_268 = arith.constant 0 : index
      %swap3A_269 = tpu.vector_load %arg11[%swap3A, %swap3A_268] {strides = array<i32>} : memref<80x16xf32, #tpu.memory_space<vmem>>, vector<1x16xf32>,
      %swap3A_270 = vector.shape_cast %swap3A_269 : vector<1x16xf32> to vector<16xf32>
      %swap3A_271 = vector.shape_cast %select_n3A : vector<16xf32> to vector<1x16xf32>
      tpu.vector_store %arg11[%swap3A, %swap3A_268], %swap3A_271 {strides = array<i32>} : memref<80x16xf32, #tpu.memory_space<vmem>>, vector<1x16xf32>,
    }
    %scan3A_31 = arith.constant 80 : i32
    %scan3A_32 = arith.constant 0 : i32
    %scan3A_33 = arith.constant 0 : i32
    %scan3A_34 = arith.constant 25 : i32
    %scan3A_35 = arith.addi %scan3A_33, %scan3A_34 : i32
    %scan3A_36 = arith.constant 1 : i32
    scf.for %scan3A_267 = %scan3A_33 to %scan3A_35 step %scan3A_36  : i32 {
      %mul3A_268 = arith.constant 625 : i32
      %mul3A_269 = arith.muli %arg1, %mul3A_268 : i32
      %mul3A_270 = arith.constant 25 : i32
      %mul3A_271 = arith.muli %scan3A_267, %mul3A_270 : i32
      %add3A_272 = arith.addi %mul3A_269, %mul3A_271 : i32
      "tpu.region"() ({
        %run_scoped3A = tpu.sem_alloc : memref<!tpu.dma_semaphore, #tpu.memory_space<semaphore_mem>>
        %dma_start3A_273 = arith.constant 0 : i32
        %dma_start3A_274 = tpu.memref_slice %arg13[%add3A_272, %dma_start3A_273] : memref<10000x16xf32, #tpu.memory_space<vmem_shared>> -> memref<25x16xf32, #tpu.memory_space<vmem_shared>>
        %dma_start3A_275 = arith.constant 0 : i32
        %dma_start3A_276 = tpu.memref_slice %arg13[%add3A_272, %dma_start3A_275] : memref<10000x16xf32, #tpu.memory_space<vmem_shared>> -> memref<25x16xf32, #tpu.memory_space<vmem_shared>>
        tpu.enqueue_dma source(%arg10 : memref<25x16xf32, #tpu.memory_space<vmem>>) target(%dma_start3A_276 : memref<25x16xf32, #tpu.memory_space<vmem_shared>>) target_semaphore(%run_scoped3A : memref<!tpu.dma_semaphore, #tpu.memory_space<semaphore_mem>>)
        %dma_wait3A_277 = arith.constant 0 : i32
        %dma_wait3A_278 = tpu.memref_slice %arg13[%add3A_272, %dma_wait3A_277] : memref<10000x16xf32, #tpu.memory_space<vmem_shared>> -> memref<25x16xf32, #tpu.memory_space<vmem_shared>>
        %dma_wait3A_279 = arith.constant 0 : i32
        %dma_wait3A_280 = tpu.memref_slice %arg13[%add3A_272, %dma_wait3A_279] : memref<10000x16xf32, #tpu.memory_space<vmem_shared>> -> memref<25x16xf32, #tpu.memory_space<vmem_shared>>
        tpu.wait_dma2 semaphore(%run_scoped3A : memref<!tpu.dma_semaphore, #tpu.memory_space<semaphore_mem>>) src(%arg10 : memref<25x16xf32, #tpu.memory_space<vmem>>) dst(%dma_wait3A_280 : memref<25x16xf32, #tpu.memory_space<vmem_shared>>)
        tpu.yield
      }) : () -> ()
    }
    %scan3A_37 = arith.constant 25 : i32
    %barrier3A = arith.constant 0 : index
    tpu.barrier barrier_id(%barrier3A)
    "tpu.region"() ({
      %run_scoped3A = tpu.sem_alloc : memref<!tpu.dma_semaphore, #tpu.memory_space<semaphore_mem>>
      %dma_start3A_267 = tpu.memref_slice %arg3[%mul3A_2] : memref<640000xi32, #tpu.memory_space<hbm>> -> memref<10000xi32, #tpu.memory_space<hbm>>
      %dma_start3A_268 = tpu.memref_slice %arg3[%mul3A_2] : memref<640000xi32, #tpu.memory_space<hbm>> -> memref<10000xi32, #tpu.memory_space<hbm>>
      tpu.enqueue_dma source(%dma_start3A_268 : memref<10000xi32, #tpu.memory_space<hbm>>) target(%arg6 : memref<10000xi32, #tpu.memory_space<vmem>>) target_semaphore(%run_scoped3A : memref<!tpu.dma_semaphore, #tpu.memory_space<semaphore_mem>>)
      %dma_wait3A_269 = tpu.memref_slice %arg3[%mul3A_2] : memref<640000xi32, #tpu.memory_space<hbm>> -> memref<10000xi32, #tpu.memory_space<hbm>>
      %dma_wait3A_270 = tpu.memref_slice %arg3[%mul3A_2] : memref<640000xi32, #tpu.memory_space<hbm>> -> memref<10000xi32, #tpu.memory_space<hbm>>
      tpu.wait_dma2 semaphore(%run_scoped3A : memref<!tpu.dma_semaphore, #tpu.memory_space<semaphore_mem>>) src(%dma_wait3A_270 : memref<10000xi32, #tpu.memory_space<hbm>>) dst(%arg6 : memref<10000xi32, #tpu.memory_space<vmem>>)
      tpu.yield
    }) : () -> ()
    %add3A_38 = arith.constant 320000 : i32
    %add3A_39 = arith.addi %add3A_38, %mul3A_2 : i32
    %add3A_40 = arith.constant 0 : i32
    %add3A_41 = arith.addi %add3A_39, %add3A_40 : i32
    %dma_start3A = arith.constant 0 : i32
    %dma_start3A_42 = arith.constant 0 : i32
    %dma_start3A_43 = arith.constant 0 : i32
    %dma_start3A_44 = tpu.memref_slice %arg7[%dma_start3A, %dma_start3A_43] : memref<2x80xi32, #tpu.memory_space<vmem>> -> memref<1x80xi32, #tpu.memory_space<vmem>>
    %dma_start3A_45 = tpu.memref_squeeze %dma_start3A_44 : memref<1x80xi32, #tpu.memory_space<vmem>> -> memref<80xi32, #tpu.memory_space<vmem>>
    %dma_start3A_46 = tpu.memref_slice %arg3[%add3A_41] : memref<640000xi32, #tpu.memory_space<hbm>> -> memref<80xi32, #tpu.memory_space<hbm>>
    %dma_start3A_47 = tpu.memref_slice %arg16[%dma_start3A_42] : memref<2x!tpu.dma_semaphore, #tpu.memory_space<semaphore_mem>> -> memref<1x!tpu.dma_semaphore, #tpu.memory_space<semaphore_mem>>
    %dma_start3A_48 = tpu.memref_squeeze %dma_start3A_47 : memref<1x!tpu.dma_semaphore, #tpu.memory_space<semaphore_mem>> -> memref<!tpu.dma_semaphore, #tpu.memory_space<semaphore_mem>>
    %dma_start3A_49 = arith.constant 0 : i32
    %dma_start3A_50 = tpu.memref_slice %arg7[%dma_start3A, %dma_start3A_49] : memref<2x80xi32, #tpu.memory_space<vmem>> -> memref<1x80xi32, #tpu.memory_space<vmem>>
    %dma_start3A_51 = tpu.memref_squeeze %dma_start3A_50 : memref<1x80xi32, #tpu.memory_space<vmem>> -> memref<80xi32, #tpu.memory_space<vmem>>
    %dma_start3A_52 = tpu.memref_slice %arg3[%add3A_41] : memref<640000xi32, #tpu.memory_space<hbm>> -> memref<80xi32, #tpu.memory_space<hbm>>
    tpu.enqueue_dma source(%dma_start3A_52 : memref<80xi32, #tpu.memory_space<hbm>>) target(%dma_start3A_51 : memref<80xi32, #tpu.memory_space<vmem>>) target_semaphore(%dma_start3A_48 : memref<!tpu.dma_semaphore, #tpu.memory_space<semaphore_mem>>)
    %dma_start3A_53 = arith.constant 0 : i32
    %dma_start3A_54 = arith.constant 0 : i32
    %dma_start3A_55 = arith.constant 0 : i32
    %dma_start3A_56 = arith.constant 0 : i32
    %dma_start3A_57 = tpu.memref_slice %arg8[%dma_start3A_53, %dma_start3A_55, %dma_start3A_56] : memref<2x80x128xf32, #tpu.memory_space<vmem>> -> memref<1x80x128xf32, #tpu.memory_space<vmem>>
    %dma_start3A_58 = tpu.memref_squeeze %dma_start3A_57 : memref<1x80x128xf32, #tpu.memory_space<vmem>> -> memref<80x128xf32, #tpu.memory_space<vmem>>
    %dma_start3A_59 = arith.constant 0 : i32
    %dma_start3A_60 = tpu.memref_slice %arg6[%dma_start3A_59] : memref<10000xi32, #tpu.memory_space<vmem>> -> memref<80xi32, #tpu.memory_space<vmem>>
    %dma_start3A_61 = arith.constant 0 : i32
    %dma_start3A_62 = arith.constant 0 : i32
    %dma_start3A_63 = tpu.memref_slice %arg2[%dma_start3A_61, %dma_start3A_62] : memref<10000x128xf32, #tpu.memory_space<hbm>> -> memref<10000x128xf32, #tpu.memory_space<hbm>>
    %dma_start3A_64 = tpu.memref_slice %arg14[%dma_start3A_54] : memref<2x!tpu.dma_semaphore, #tpu.memory_space<semaphore_mem>> -> memref<1x!tpu.dma_semaphore, #tpu.memory_space<semaphore_mem>>
    %dma_start3A_65 = tpu.memref_squeeze %dma_start3A_64 : memref<1x!tpu.dma_semaphore, #tpu.memory_space<semaphore_mem>> -> memref<!tpu.dma_semaphore, #tpu.memory_space<semaphore_mem>>
    tpu.enqueue_indirect_dma source(%dma_start3A_63 : memref<10000x128xf32, #tpu.memory_space<hbm>>) target(%dma_start3A_58 : memref<80x128xf32, #tpu.memory_space<vmem>>) offsets(%dma_start3A_60 : memref<80xi32, #tpu.memory_space<vmem>>) semaphore(%dma_start3A_65 : memref<!tpu.dma_semaphore, #tpu.memory_space<semaphore_mem>>)
    %add3A_66 = arith.constant 320000 : i32
    %add3A_67 = arith.addi %add3A_66, %mul3A_2 : i32
    %add3A_68 = arith.constant 80 : i32
    %add3A_69 = arith.addi %add3A_67, %add3A_68 : i32
    %dma_start3A_70 = arith.constant 1 : i32
    %dma_start3A_71 = arith.constant 1 : i32
    %dma_start3A_72 = arith.constant 0 : i32
    %dma_start3A_73 = tpu.memref_slice %arg7[%dma_start3A_70, %dma_start3A_72] : memref<2x80xi32, #tpu.memory_space<vmem>> -> memref<1x80xi32, #tpu.memory_space<vmem>>
    %dma_start3A_74 = tpu.memref_squeeze %dma_start3A_73 : memref<1x80xi32, #tpu.memory_space<vmem>> -> memref<80xi32, #tpu.memory_space<vmem>>
    %dma_start3A_75 = tpu.memref_slice %arg3[%add3A_69] : memref<640000xi32, #tpu.memory_space<hbm>> -> memref<80xi32, #tpu.memory_space<hbm>>
    %dma_start3A_76 = tpu.memref_slice %arg16[%dma_start3A_71] : memref<2x!tpu.dma_semaphore, #tpu.memory_space<semaphore_mem>> -> memref<1x!tpu.dma_semaphore, #tpu.memory_space<semaphore_mem>>
    %dma_start3A_77 = tpu.memref_squeeze %dma_start3A_76 : memref<1x!tpu.dma_semaphore, #tpu.memory_space<semaphore_mem>> -> memref<!tpu.dma_semaphore, #tpu.memory_space<semaphore_mem>>
    %dma_start3A_78 = arith.constant 0 : i32
    %dma_start3A_79 = tpu.memref_slice %arg7[%dma_start3A_70, %dma_start3A_78] : memref<2x80xi32, #tpu.memory_space<vmem>> -> memref<1x80xi32, #tpu.memory_space<vmem>>
    %dma_start3A_80 = tpu.memref_squeeze %dma_start3A_79 : memref<1x80xi32, #tpu.memory_space<vmem>> -> memref<80xi32, #tpu.memory_space<vmem>>
    %dma_start3A_81 = tpu.memref_slice %arg3[%add3A_69] : memref<640000xi32, #tpu.memory_space<hbm>> -> memref<80xi32, #tpu.memory_space<hbm>>
    tpu.enqueue_dma source(%dma_start3A_81 : memref<80xi32, #tpu.memory_space<hbm>>) target(%dma_start3A_80 : memref<80xi32, #tpu.memory_space<vmem>>) target_semaphore(%dma_start3A_77 : memref<!tpu.dma_semaphore, #tpu.memory_space<semaphore_mem>>)
    %dma_start3A_82 = arith.constant 1 : i32
    %dma_start3A_83 = arith.constant 1 : i32
    %dma_start3A_84 = arith.constant 0 : i32
    %dma_start3A_85 = arith.constant 0 : i32
    %dma_start3A_86 = tpu.memref_slice %arg8[%dma_start3A_82, %dma_start3A_84, %dma_start3A_85] : memref<2x80x128xf32, #tpu.memory_space<vmem>> -> memref<1x80x128xf32, #tpu.memory_space<vmem>>
    %dma_start3A_87 = tpu.memref_squeeze %dma_start3A_86 : memref<1x80x128xf32, #tpu.memory_space<vmem>> -> memref<80x128xf32, #tpu.memory_space<vmem>>
    %dma_start3A_88 = arith.constant 80 : i32
    %dma_start3A_89 = tpu.memref_slice %arg6[%dma_start3A_88] : memref<10000xi32, #tpu.memory_space<vmem>> -> memref<80xi32, #tpu.memory_space<vmem>>
    %dma_start3A_90 = arith.constant 0 : i32
    %dma_start3A_91 = arith.constant 0 : i32
    %dma_start3A_92 = tpu.memref_slice %arg2[%dma_start3A_90, %dma_start3A_91] : memref<10000x128xf32, #tpu.memory_space<hbm>> -> memref<10000x128xf32, #tpu.memory_space<hbm>>
    %dma_start3A_93 = tpu.memref_slice %arg14[%dma_start3A_83] : memref<2x!tpu.dma_semaphore, #tpu.memory_space<semaphore_mem>> -> memref<1x!tpu.dma_semaphore, #tpu.memory_space<semaphore_mem>>
    %dma_start3A_94 = tpu.memref_squeeze %dma_start3A_93 : memref<1x!tpu.dma_semaphore, #tpu.memory_space<semaphore_mem>> -> memref<!tpu.dma_semaphore, #tpu.memory_space<semaphore_mem>>
    tpu.enqueue_indirect_dma source(%dma_start3A_92 : memref<10000x128xf32, #tpu.memory_space<hbm>>) target(%dma_start3A_87 : memref<80x128xf32, #tpu.memory_space<vmem>>) offsets(%dma_start3A_89 : memref<80xi32, #tpu.memory_space<vmem>>) semaphore(%dma_start3A_94 : memref<!tpu.dma_semaphore, #tpu.memory_space<semaphore_mem>>)
    %dma_wait3A = arith.constant 0 : i32
    %dma_wait3A_95 = arith.constant 0 : i32
    %dma_wait3A_96 = arith.constant 0 : i32
    %dma_wait3A_97 = arith.constant 0 : i32
    %dma_wait3A_98 = tpu.memref_slice %arg8[%dma_wait3A, %dma_wait3A_96, %dma_wait3A_97] : memref<2x80x128xf32, #tpu.memory_space<vmem>> -> memref<1x80x128xf32, #tpu.memory_space<vmem>>
    %dma_wait3A_99 = tpu.memref_squeeze %dma_wait3A_98 : memref<1x80x128xf32, #tpu.memory_space<vmem>> -> memref<80x128xf32, #tpu.memory_space<vmem>>
    %dma_wait3A_100 = arith.constant 0 : i32
    %dma_wait3A_101 = tpu.memref_slice %arg6[%dma_wait3A_100] : memref<10000xi32, #tpu.memory_space<vmem>> -> memref<80xi32, #tpu.memory_space<vmem>>
    %dma_wait3A_102 = arith.constant 0 : i32
    %dma_wait3A_103 = arith.constant 0 : i32
    %dma_wait3A_104 = tpu.memref_slice %arg2[%dma_wait3A_102, %dma_wait3A_103] : memref<10000x128xf32, #tpu.memory_space<hbm>> -> memref<10000x128xf32, #tpu.memory_space<hbm>>
    %dma_wait3A_105 = tpu.memref_slice %arg14[%dma_wait3A_95] : memref<2x!tpu.dma_semaphore, #tpu.memory_space<semaphore_mem>> -> memref<1x!tpu.dma_semaphore, #tpu.memory_space<semaphore_mem>>
    %dma_wait3A_106 = tpu.memref_squeeze %dma_wait3A_105 : memref<1x!tpu.dma_semaphore, #tpu.memory_space<semaphore_mem>> -> memref<!tpu.dma_semaphore, #tpu.memory_space<semaphore_mem>>
    tpu.wait_indirect_dma semaphore(%dma_wait3A_106 : memref<!tpu.dma_semaphore, #tpu.memory_space<semaphore_mem>>) src(%dma_wait3A_104 : memref<10000x128xf32, #tpu.memory_space<hbm>>) dst(%dma_wait3A_99 : memref<80x128xf32, #tpu.memory_space<vmem>>)
    %add3A_107 = arith.constant 320000 : i32
    %add3A_108 = arith.addi %add3A_107, %mul3A_2 : i32
    %add3A_109 = arith.constant 0 : i32
    %add3A_110 = arith.addi %add3A_108, %add3A_109 : i32
    %dma_wait3A_111 = arith.constant 0 : i32
    %dma_wait3A_112 = arith.constant 0 : i32
    %dma_wait3A_113 = arith.constant 0 : i32
    %dma_wait3A_114 = tpu.memref_slice %arg7[%dma_wait3A_111, %dma_wait3A_113] : memref<2x80xi32, #tpu.memory_space<vmem>> -> memref<1x80xi32, #tpu.memory_space<vmem>>
    %dma_wait3A_115 = tpu.memref_squeeze %dma_wait3A_114 : memref<1x80xi32, #tpu.memory_space<vmem>> -> memref<80xi32, #tpu.memory_space<vmem>>
    %dma_wait3A_116 = tpu.memref_slice %arg3[%add3A_110] : memref<640000xi32, #tpu.memory_space<hbm>> -> memref<80xi32, #tpu.memory_space<hbm>>
    %dma_wait3A_117 = tpu.memref_slice %arg16[%dma_wait3A_112] : memref<2x!tpu.dma_semaphore, #tpu.memory_space<semaphore_mem>> -> memref<1x!tpu.dma_semaphore, #tpu.memory_space<semaphore_mem>>
    %dma_wait3A_118 = tpu.memref_squeeze %dma_wait3A_117 : memref<1x!tpu.dma_semaphore, #tpu.memory_space<semaphore_mem>> -> memref<!tpu.dma_semaphore, #tpu.memory_space<semaphore_mem>>
    %dma_wait3A_119 = arith.constant 0 : i32
    %dma_wait3A_120 = tpu.memref_slice %arg7[%dma_wait3A_111, %dma_wait3A_119] : memref<2x80xi32, #tpu.memory_space<vmem>> -> memref<1x80xi32, #tpu.memory_space<vmem>>
    %dma_wait3A_121 = tpu.memref_squeeze %dma_wait3A_120 : memref<1x80xi32, #tpu.memory_space<vmem>> -> memref<80xi32, #tpu.memory_space<vmem>>
    %dma_wait3A_122 = tpu.memref_slice %arg3[%add3A_110] : memref<640000xi32, #tpu.memory_space<hbm>> -> memref<80xi32, #tpu.memory_space<hbm>>
    tpu.wait_dma2 semaphore(%dma_wait3A_118 : memref<!tpu.dma_semaphore, #tpu.memory_space<semaphore_mem>>) src(%dma_wait3A_122 : memref<80xi32, #tpu.memory_space<hbm>>) dst(%dma_wait3A_121 : memref<80xi32, #tpu.memory_space<vmem>>)
    %dma_start3A_123 = arith.constant 0 : i32
    %dma_start3A_124 = arith.constant 0 : i32
    %dma_start3A_125 = arith.constant 0 : i32
    %dma_start3A_126 = arith.constant 0 : i32
    %dma_start3A_127 = arith.constant 0 : i32
    %dma_start3A_128 = tpu.memref_slice %arg8[%dma_start3A_123, %dma_start3A_126, %dma_start3A_127] : memref<2x80x128xf32, #tpu.memory_space<vmem>> -> memref<1x80x128xf32, #tpu.memory_space<vmem>>
    %dma_start3A_129 = tpu.memref_squeeze %dma_start3A_128 : memref<1x80x128xf32, #tpu.memory_space<vmem>> -> memref<80x128xf32, #tpu.memory_space<vmem>>
    %dma_start3A_130 = arith.constant 0 : i32
    %dma_start3A_131 = tpu.memref_slice %arg7[%dma_start3A_124, %dma_start3A_130] : memref<2x80xi32, #tpu.memory_space<vmem>> -> memref<1x80xi32, #tpu.memory_space<vmem>>
    %dma_start3A_132 = tpu.memref_squeeze %dma_start3A_131 : memref<1x80xi32, #tpu.memory_space<vmem>> -> memref<80xi32, #tpu.memory_space<vmem>>
    %dma_start3A_133 = arith.constant 0 : i32
    %dma_start3A_134 = arith.constant 0 : i32
    %dma_start3A_135 = tpu.memref_slice %arg12[%dma_start3A_133, %dma_start3A_134] : memref<10000x128xf32, #tpu.memory_space<vmem_shared>> -> memref<10000x128xf32, #tpu.memory_space<vmem_shared>>
    %dma_start3A_136 = tpu.memref_slice %arg15[%dma_start3A_125] : memref<2x!tpu.dma_semaphore, #tpu.memory_space<semaphore_mem>> -> memref<1x!tpu.dma_semaphore, #tpu.memory_space<semaphore_mem>>
    %dma_start3A_137 = tpu.memref_squeeze %dma_start3A_136 : memref<1x!tpu.dma_semaphore, #tpu.memory_space<semaphore_mem>> -> memref<!tpu.dma_semaphore, #tpu.memory_space<semaphore_mem>>
    tpu.enqueue_indirect_dma source(%dma_start3A_129 : memref<80x128xf32, #tpu.memory_space<vmem>>) target(%dma_start3A_135 : memref<10000x128xf32, #tpu.memory_space<vmem_shared>>) offsets(%dma_start3A_132 : memref<80xi32, #tpu.memory_space<vmem>>) semaphore(%dma_start3A_137 : memref<!tpu.dma_semaphore, #tpu.memory_space<semaphore_mem>>) {add = true}
    %dma_start3A_138 = arith.constant 0 : i32
    %dma_start3A_139 = arith.constant 0 : i32
    %dma_start3A_140 = arith.constant 0 : i32
    %dma_start3A_141 = tpu.memref_slice %arg7[%dma_start3A_138, %dma_start3A_140] : memref<2x80xi32, #tpu.memory_space<vmem>> -> memref<1x80xi32, #tpu.memory_space<vmem>>
    %dma_start3A_142 = tpu.memref_squeeze %dma_start3A_141 : memref<1x80xi32, #tpu.memory_space<vmem>> -> memref<80xi32, #tpu.memory_space<vmem>>
    %dma_start3A_143 = arith.constant 0 : i32
    %dma_start3A_144 = arith.constant 0 : i32
    %dma_start3A_145 = tpu.memref_slice %arg13[%dma_start3A_143, %dma_start3A_144] : memref<10000x16xf32, #tpu.memory_space<vmem_shared>> -> memref<10000x16xf32, #tpu.memory_space<vmem_shared>>
    %dma_start3A_146 = tpu.memref_slice %arg17[%dma_start3A_139] : memref<2x!tpu.dma_semaphore, #tpu.memory_space<semaphore_mem>> -> memref<1x!tpu.dma_semaphore, #tpu.memory_space<semaphore_mem>>
    %dma_start3A_147 = tpu.memref_squeeze %dma_start3A_146 : memref<1x!tpu.dma_semaphore, #tpu.memory_space<semaphore_mem>> -> memref<!tpu.dma_semaphore, #tpu.memory_space<semaphore_mem>>
    tpu.enqueue_indirect_dma source(%arg11 : memref<80x16xf32, #tpu.memory_space<vmem>>) target(%dma_start3A_145 : memref<10000x16xf32, #tpu.memory_space<vmem_shared>>) offsets(%dma_start3A_142 : memref<80xi32, #tpu.memory_space<vmem>>) semaphore(%dma_start3A_147 : memref<!tpu.dma_semaphore, #tpu.memory_space<semaphore_mem>>) {add = true}
    %scan3A_148 = arith.constant 0 : i32
    %scan3A_149 = arith.constant 1 : i32
    %scan3A_150 = arith.constant 123 : i32
    %scan3A_151 = arith.addi %scan3A_149, %scan3A_150 : i32
    %scan3A_152 = arith.constant 1 : i32
    scf.for %scan3A_267 = %scan3A_149 to %scan3A_151 step %scan3A_152  : i32 {
      %rem3A = arith.constant 2 : i32
      %rem3A_268 = arith.remsi %scan3A_267, %rem3A : i32
      %add3A_269 = arith.constant 1 : i32
      %add3A_270 = arith.addi %scan3A_267, %add3A_269 : i32
      %rem3A_271 = arith.constant 2 : i32
      %rem3A_272 = arith.remsi %add3A_270, %rem3A_271 : i32
      %dma_wait3A_273 = arith.constant 0 : i32
      %dma_wait3A_274 = arith.constant 0 : i32
      %dma_wait3A_275 = tpu.memref_slice %arg8[%rem3A_272, %dma_wait3A_273, %dma_wait3A_274] : memref<2x80x128xf32, #tpu.memory_space<vmem>> -> memref<1x80x128xf32, #tpu.memory_space<vmem>>
      %dma_wait3A_276 = tpu.memref_squeeze %dma_wait3A_275 : memref<1x80x128xf32, #tpu.memory_space<vmem>> -> memref<80x128xf32, #tpu.memory_space<vmem>>
      %dma_wait3A_277 = arith.constant 0 : i32
      %dma_wait3A_278 = tpu.memref_slice %arg7[%rem3A_272, %dma_wait3A_277] : memref<2x80xi32, #tpu.memory_space<vmem>> -> memref<1x80xi32, #tpu.memory_space<vmem>>
      %dma_wait3A_279 = tpu.memref_squeeze %dma_wait3A_278 : memref<1x80xi32, #tpu.memory_space<vmem>> -> memref<80xi32, #tpu.memory_space<vmem>>
      %dma_wait3A_280 = arith.constant 0 : i32
      %dma_wait3A_281 = arith.constant 0 : i32
      %dma_wait3A_282 = tpu.memref_slice %arg12[%dma_wait3A_280, %dma_wait3A_281] : memref<10000x128xf32, #tpu.memory_space<vmem_shared>> -> memref<10000x128xf32, #tpu.memory_space<vmem_shared>>
      %dma_wait3A_283 = tpu.memref_slice %arg15[%rem3A_272] : memref<2x!tpu.dma_semaphore, #tpu.memory_space<semaphore_mem>> -> memref<1x!tpu.dma_semaphore, #tpu.memory_space<semaphore_mem>>
      %dma_wait3A_284 = tpu.memref_squeeze %dma_wait3A_283 : memref<1x!tpu.dma_semaphore, #tpu.memory_space<semaphore_mem>> -> memref<!tpu.dma_semaphore, #tpu.memory_space<semaphore_mem>>
      tpu.wait_indirect_dma semaphore(%dma_wait3A_284 : memref<!tpu.dma_semaphore, #tpu.memory_space<semaphore_mem>>) src(%dma_wait3A_276 : memref<80x128xf32, #tpu.memory_space<vmem>>) dst(%dma_wait3A_282 : memref<10000x128xf32, #tpu.memory_space<vmem_shared>>)
      %dma_wait3A_285 = arith.constant 0 : i32
      %dma_wait3A_286 = tpu.memref_slice %arg7[%rem3A_272, %dma_wait3A_285] : memref<2x80xi32, #tpu.memory_space<vmem>> -> memref<1x80xi32, #tpu.memory_space<vmem>>
      %dma_wait3A_287 = tpu.memref_squeeze %dma_wait3A_286 : memref<1x80xi32, #tpu.memory_space<vmem>> -> memref<80xi32, #tpu.memory_space<vmem>>
      %dma_wait3A_288 = arith.constant 0 : i32
      %dma_wait3A_289 = arith.constant 0 : i32
      %dma_wait3A_290 = tpu.memref_slice %arg13[%dma_wait3A_288, %dma_wait3A_289] : memref<10000x16xf32, #tpu.memory_space<vmem_shared>> -> memref<10000x16xf32, #tpu.memory_space<vmem_shared>>
      %dma_wait3A_291 = tpu.memref_slice %arg17[%rem3A_272] : memref<2x!tpu.dma_semaphore, #tpu.memory_space<semaphore_mem>> -> memref<1x!tpu.dma_semaphore, #tpu.memory_space<semaphore_mem>>
      %dma_wait3A_292 = tpu.memref_squeeze %dma_wait3A_291 : memref<1x!tpu.dma_semaphore, #tpu.memory_space<semaphore_mem>> -> memref<!tpu.dma_semaphore, #tpu.memory_space<semaphore_mem>>
      tpu.wait_indirect_dma semaphore(%dma_wait3A_292 : memref<!tpu.dma_semaphore, #tpu.memory_space<semaphore_mem>>) src(%arg11 : memref<80x16xf32, #tpu.memory_space<vmem>>) dst(%dma_wait3A_290 : memref<10000x16xf32, #tpu.memory_space<vmem_shared>>)
      %add3A_293 = arith.constant 1 : i32
      %add3A_294 = arith.addi %scan3A_267, %add3A_293 : i32
      %add3A_295 = arith.constant 320000 : i32
      %add3A_296 = arith.addi %add3A_295, %mul3A_2 : i32
      %mul3A_297 = arith.constant 80 : i32
      %mul3A_298 = arith.muli %add3A_294, %mul3A_297 : i32
      %add3A_299 = arith.addi %add3A_296, %mul3A_298 : i32
      %dma_start3A_300 = arith.constant 0 : i32
      %dma_start3A_301 = tpu.memref_slice %arg7[%rem3A_272, %dma_start3A_300] : memref<2x80xi32, #tpu.memory_space<vmem>> -> memref<1x80xi32, #tpu.memory_space<vmem>>
      %dma_start3A_302 = tpu.memref_squeeze %dma_start3A_301 : memref<1x80xi32, #tpu.memory_space<vmem>> -> memref<80xi32, #tpu.memory_space<vmem>>
      %dma_start3A_303 = tpu.memref_slice %arg3[%add3A_299] : memref<640000xi32, #tpu.memory_space<hbm>> -> memref<80xi32, #tpu.memory_space<hbm>>
      %dma_start3A_304 = tpu.memref_slice %arg16[%rem3A_272] : memref<2x!tpu.dma_semaphore, #tpu.memory_space<semaphore_mem>> -> memref<1x!tpu.dma_semaphore, #tpu.memory_space<semaphore_mem>>
      %dma_start3A_305 = tpu.memref_squeeze %dma_start3A_304 : memref<1x!tpu.dma_semaphore, #tpu.memory_space<semaphore_mem>> -> memref<!tpu.dma_semaphore, #tpu.memory_space<semaphore_mem>>
      %dma_start3A_306 = arith.constant 0 : i32
      %dma_start3A_307 = tpu.memref_slice %arg7[%rem3A_272, %dma_start3A_306] : memref<2x80xi32, #tpu.memory_space<vmem>> -> memref<1x80xi32, #tpu.memory_space<vmem>>
      %dma_start3A_308 = tpu.memref_squeeze %dma_start3A_307 : memref<1x80xi32, #tpu.memory_space<vmem>> -> memref<80xi32, #tpu.memory_space<vmem>>
      %dma_start3A_309 = tpu.memref_slice %arg3[%add3A_299] : memref<640000xi32, #tpu.memory_space<hbm>> -> memref<80xi32, #tpu.memory_space<hbm>>
      tpu.enqueue_dma source(%dma_start3A_309 : memref<80xi32, #tpu.memory_space<hbm>>) target(%dma_start3A_308 : memref<80xi32, #tpu.memory_space<vmem>>) target_semaphore(%dma_start3A_305 : memref<!tpu.dma_semaphore, #tpu.memory_space<semaphore_mem>>)
      %add3A_310 = arith.constant 1 : i32
      %add3A_311 = arith.addi %scan3A_267, %add3A_310 : i32
      %mul3A_312 = arith.constant 80 : i32
      %mul3A_313 = arith.muli %add3A_311, %mul3A_312 : i32
      %dma_start3A_314 = arith.constant 0 : i32
      %dma_start3A_315 = arith.constant 0 : i32
      %dma_start3A_316 = tpu.memref_slice %arg8[%rem3A_272, %dma_start3A_314, %dma_start3A_315] : memref<2x80x128xf32, #tpu.memory_space<vmem>> -> memref<1x80x128xf32, #tpu.memory_space<vmem>>
      %dma_start3A_317 = tpu.memref_squeeze %dma_start3A_316 : memref<1x80x128xf32, #tpu.memory_space<vmem>> -> memref<80x128xf32, #tpu.memory_space<vmem>>
      %dma_start3A_318 = tpu.memref_slice %arg6[%mul3A_313] : memref<10000xi32, #tpu.memory_space<vmem>> -> memref<80xi32, #tpu.memory_space<vmem>>
      %dma_start3A_319 = arith.constant 0 : i32
      %dma_start3A_320 = arith.constant 0 : i32
      %dma_start3A_321 = tpu.memref_slice %arg2[%dma_start3A_319, %dma_start3A_320] : memref<10000x128xf32, #tpu.memory_space<hbm>> -> memref<10000x128xf32, #tpu.memory_space<hbm>>
      %dma_start3A_322 = tpu.memref_slice %arg14[%rem3A_272] : memref<2x!tpu.dma_semaphore, #tpu.memory_space<semaphore_mem>> -> memref<1x!tpu.dma_semaphore, #tpu.memory_space<semaphore_mem>>
      %dma_start3A_323 = tpu.memref_squeeze %dma_start3A_322 : memref<1x!tpu.dma_semaphore, #tpu.memory_space<semaphore_mem>> -> memref<!tpu.dma_semaphore, #tpu.memory_space<semaphore_mem>>
      tpu.enqueue_indirect_dma source(%dma_start3A_321 : memref<10000x128xf32, #tpu.memory_space<hbm>>) target(%dma_start3A_317 : memref<80x128xf32, #tpu.memory_space<vmem>>) offsets(%dma_start3A_318 : memref<80xi32, #tpu.memory_space<vmem>>) semaphore(%dma_start3A_323 : memref<!tpu.dma_semaphore, #tpu.memory_space<semaphore_mem>>)
      %mul3A_324 = arith.constant 80 : i32
      %mul3A_325 = arith.muli %scan3A_267, %mul3A_324 : i32
      %dma_wait3A_326 = arith.constant 0 : i32
      %dma_wait3A_327 = arith.constant 0 : i32
      %dma_wait3A_328 = tpu.memref_slice %arg8[%rem3A_268, %dma_wait3A_326, %dma_wait3A_327] : memref<2x80x128xf32, #tpu.memory_space<vmem>> -> memref<1x80x128xf32, #tpu.memory_space<vmem>>
      %dma_wait3A_329 = tpu.memref_squeeze %dma_wait3A_328 : memref<1x80x128xf32, #tpu.memory_space<vmem>> -> memref<80x128xf32, #tpu.memory_space<vmem>>
      %dma_wait3A_330 = tpu.memref_slice %arg6[%mul3A_325] : memref<10000xi32, #tpu.memory_space<vmem>> -> memref<80xi32, #tpu.memory_space<vmem>>
      %dma_wait3A_331 = arith.constant 0 : i32
      %dma_wait3A_332 = arith.constant 0 : i32
      %dma_wait3A_333 = tpu.memref_slice %arg2[%dma_wait3A_331, %dma_wait3A_332] : memref<10000x128xf32, #tpu.memory_space<hbm>> -> memref<10000x128xf32, #tpu.memory_space<hbm>>
      %dma_wait3A_334 = tpu.memref_slice %arg14[%rem3A_268] : memref<2x!tpu.dma_semaphore, #tpu.memory_space<semaphore_mem>> -> memref<1x!tpu.dma_semaphore, #tpu.memory_space<semaphore_mem>>
      %dma_wait3A_335 = tpu.memref_squeeze %dma_wait3A_334 : memref<1x!tpu.dma_semaphore, #tpu.memory_space<semaphore_mem>> -> memref<!tpu.dma_semaphore, #tpu.memory_space<semaphore_mem>>
      tpu.wait_indirect_dma semaphore(%dma_wait3A_335 : memref<!tpu.dma_semaphore, #tpu.memory_space<semaphore_mem>>) src(%dma_wait3A_333 : memref<10000x128xf32, #tpu.memory_space<hbm>>) dst(%dma_wait3A_329 : memref<80x128xf32, #tpu.memory_space<vmem>>)
      %add3A_336 = arith.constant 320000 : i32
      %add3A_337 = arith.addi %add3A_336, %mul3A_2 : i32
      %mul3A_338 = arith.constant 80 : i32
      %mul3A_339 = arith.muli %scan3A_267, %mul3A_338 : i32
      %add3A_340 = arith.addi %add3A_337, %mul3A_339 : i32
      %dma_wait3A_341 = arith.constant 0 : i32
      %dma_wait3A_342 = tpu.memref_slice %arg7[%rem3A_268, %dma_wait3A_341] : memref<2x80xi32, #tpu.memory_space<vmem>> -> memref<1x80xi32, #tpu.memory_space<vmem>>
      %dma_wait3A_343 = tpu.memref_squeeze %dma_wait3A_342 : memref<1x80xi32, #tpu.memory_space<vmem>> -> memref<80xi32, #tpu.memory_space<vmem>>
      %dma_wait3A_344 = tpu.memref_slice %arg3[%add3A_340] : memref<640000xi32, #tpu.memory_space<hbm>> -> memref<80xi32, #tpu.memory_space<hbm>>
      %dma_wait3A_345 = tpu.memref_slice %arg16[%rem3A_268] : memref<2x!tpu.dma_semaphore, #tpu.memory_space<semaphore_mem>> -> memref<1x!tpu.dma_semaphore, #tpu.memory_space<semaphore_mem>>
      %dma_wait3A_346 = tpu.memref_squeeze %dma_wait3A_345 : memref<1x!tpu.dma_semaphore, #tpu.memory_space<semaphore_mem>> -> memref<!tpu.dma_semaphore, #tpu.memory_space<semaphore_mem>>
      %dma_wait3A_347 = arith.constant 0 : i32
      %dma_wait3A_348 = tpu.memref_slice %arg7[%rem3A_268, %dma_wait3A_347] : memref<2x80xi32, #tpu.memory_space<vmem>> -> memref<1x80xi32, #tpu.memory_space<vmem>>
      %dma_wait3A_349 = tpu.memref_squeeze %dma_wait3A_348 : memref<1x80xi32, #tpu.memory_space<vmem>> -> memref<80xi32, #tpu.memory_space<vmem>>
      %dma_wait3A_350 = tpu.memref_slice %arg3[%add3A_340] : memref<640000xi32, #tpu.memory_space<hbm>> -> memref<80xi32, #tpu.memory_space<hbm>>
      tpu.wait_dma2 semaphore(%dma_wait3A_346 : memref<!tpu.dma_semaphore, #tpu.memory_space<semaphore_mem>>) src(%dma_wait3A_350 : memref<80xi32, #tpu.memory_space<hbm>>) dst(%dma_wait3A_349 : memref<80xi32, #tpu.memory_space<vmem>>)
      %dma_start3A_351 = arith.constant 0 : i32
      %dma_start3A_352 = arith.constant 0 : i32
      %dma_start3A_353 = tpu.memref_slice %arg8[%rem3A_268, %dma_start3A_351, %dma_start3A_352] : memref<2x80x128xf32, #tpu.memory_space<vmem>> -> memref<1x80x128xf32, #tpu.memory_space<vmem>>
      %dma_start3A_354 = tpu.memref_squeeze %dma_start3A_353 : memref<1x80x128xf32, #tpu.memory_space<vmem>> -> memref<80x128xf32, #tpu.memory_space<vmem>>
      %dma_start3A_355 = arith.constant 0 : i32
      %dma_start3A_356 = tpu.memref_slice %arg7[%rem3A_268, %dma_start3A_355] : memref<2x80xi32, #tpu.memory_space<vmem>> -> memref<1x80xi32, #tpu.memory_space<vmem>>
      %dma_start3A_357 = tpu.memref_squeeze %dma_start3A_356 : memref<1x80xi32, #tpu.memory_space<vmem>> -> memref<80xi32, #tpu.memory_space<vmem>>
      %dma_start3A_358 = arith.constant 0 : i32
      %dma_start3A_359 = arith.constant 0 : i32
      %dma_start3A_360 = tpu.memref_slice %arg12[%dma_start3A_358, %dma_start3A_359] : memref<10000x128xf32, #tpu.memory_space<vmem_shared>> -> memref<10000x128xf32, #tpu.memory_space<vmem_shared>>
      %dma_start3A_361 = tpu.memref_slice %arg15[%rem3A_268] : memref<2x!tpu.dma_semaphore, #tpu.memory_space<semaphore_mem>> -> memref<1x!tpu.dma_semaphore, #tpu.memory_space<semaphore_mem>>
      %dma_start3A_362 = tpu.memref_squeeze %dma_start3A_361 : memref<1x!tpu.dma_semaphore, #tpu.memory_space<semaphore_mem>> -> memref<!tpu.dma_semaphore, #tpu.memory_space<semaphore_mem>>
      tpu.enqueue_indirect_dma source(%dma_start3A_354 : memref<80x128xf32, #tpu.memory_space<vmem>>) target(%dma_start3A_360 : memref<10000x128xf32, #tpu.memory_space<vmem_shared>>) offsets(%dma_start3A_357 : memref<80xi32, #tpu.memory_space<vmem>>) semaphore(%dma_start3A_362 : memref<!tpu.dma_semaphore, #tpu.memory_space<semaphore_mem>>) {add = true}
      %dma_start3A_363 = arith.constant 0 : i32
      %dma_start3A_364 = tpu.memref_slice %arg7[%rem3A_268, %dma_start3A_363] : memref<2x80xi32, #tpu.memory_space<vmem>> -> memref<1x80xi32, #tpu.memory_space<vmem>>
      %dma_start3A_365 = tpu.memref_squeeze %dma_start3A_364 : memref<1x80xi32, #tpu.memory_space<vmem>> -> memref<80xi32, #tpu.memory_space<vmem>>
      %dma_start3A_366 = arith.constant 0 : i32
      %dma_start3A_367 = arith.constant 0 : i32
      %dma_start3A_368 = tpu.memref_slice %arg13[%dma_start3A_366, %dma_start3A_367] : memref<10000x16xf32, #tpu.memory_space<vmem_shared>> -> memref<10000x16xf32, #tpu.memory_space<vmem_shared>>
      %dma_start3A_369 = tpu.memref_slice %arg17[%rem3A_268] : memref<2x!tpu.dma_semaphore, #tpu.memory_space<semaphore_mem>> -> memref<1x!tpu.dma_semaphore, #tpu.memory_space<semaphore_mem>>
      %dma_start3A_370 = tpu.memref_squeeze %dma_start3A_369 : memref<1x!tpu.dma_semaphore, #tpu.memory_space<semaphore_mem>> -> memref<!tpu.dma_semaphore, #tpu.memory_space<semaphore_mem>>
      tpu.enqueue_indirect_dma source(%arg11 : memref<80x16xf32, #tpu.memory_space<vmem>>) target(%dma_start3A_368 : memref<10000x16xf32, #tpu.memory_space<vmem_shared>>) offsets(%dma_start3A_365 : memref<80xi32, #tpu.memory_space<vmem>>) semaphore(%dma_start3A_370 : memref<!tpu.dma_semaphore, #tpu.memory_space<semaphore_mem>>) {add = true}
    }
    %scan3A_153 = arith.constant 123 : i32
    %dma_wait3A_154 = arith.constant 1 : i32
    %dma_wait3A_155 = arith.constant 1 : i32
    %dma_wait3A_156 = arith.constant 1 : i32
    %dma_wait3A_157 = arith.constant 0 : i32
    %dma_wait3A_158 = arith.constant 0 : i32
    %dma_wait3A_159 = tpu.memref_slice %arg8[%dma_wait3A_154, %dma_wait3A_157, %dma_wait3A_158] : memref<2x80x128xf32, #tpu.memory_space<vmem>> -> memref<1x80x128xf32, #tpu.memory_space<vmem>>
    %dma_wait3A_160 = tpu.memref_squeeze %dma_wait3A_159 : memref<1x80x128xf32, #tpu.memory_space<vmem>> -> memref<80x128xf32, #tpu.memory_space<vmem>>
    %dma_wait3A_161 = arith.constant 0 : i32
    %dma_wait3A_162 = tpu.memref_slice %arg7[%dma_wait3A_155, %dma_wait3A_161] : memref<2x80xi32, #tpu.memory_space<vmem>> -> memref<1x80xi32, #tpu.memory_space<vmem>>
    %dma_wait3A_163 = tpu.memref_squeeze %dma_wait3A_162 : memref<1x80xi32, #tpu.memory_space<vmem>> -> memref<80xi32, #tpu.memory_space<vmem>>
    %dma_wait3A_164 = arith.constant 0 : i32
    %dma_wait3A_165 = arith.constant 0 : i32
    %dma_wait3A_166 = tpu.memref_slice %arg12[%dma_wait3A_164, %dma_wait3A_165] : memref<10000x128xf32, #tpu.memory_space<vmem_shared>> -> memref<10000x128xf32, #tpu.memory_space<vmem_shared>>
    %dma_wait3A_167 = tpu.memref_slice %arg15[%dma_wait3A_156] : memref<2x!tpu.dma_semaphore, #tpu.memory_space<semaphore_mem>> -> memref<1x!tpu.dma_semaphore, #tpu.memory_space<semaphore_mem>>
    %dma_wait3A_168 = tpu.memref_squeeze %dma_wait3A_167 : memref<1x!tpu.dma_semaphore, #tpu.memory_space<semaphore_mem>> -> memref<!tpu.dma_semaphore, #tpu.memory_space<semaphore_mem>>
    tpu.wait_indirect_dma semaphore(%dma_wait3A_168 : memref<!tpu.dma_semaphore, #tpu.memory_space<semaphore_mem>>) src(%dma_wait3A_160 : memref<80x128xf32, #tpu.memory_space<vmem>>) dst(%dma_wait3A_166 : memref<10000x128xf32, #tpu.memory_space<vmem_shared>>)
    %dma_wait3A_169 = arith.constant 0 : i32
    %dma_wait3A_170 = arith.constant 0 : i32
    %dma_wait3A_171 = arith.constant 0 : i32
    %dma_wait3A_172 = arith.constant 0 : i32
    %dma_wait3A_173 = tpu.memref_slice %arg8[%dma_wait3A_169, %dma_wait3A_171, %dma_wait3A_172] : memref<2x80x128xf32, #tpu.memory_space<vmem>> -> memref<1x80x128xf32, #tpu.memory_space<vmem>>
    %dma_wait3A_174 = tpu.memref_squeeze %dma_wait3A_173 : memref<1x80x128xf32, #tpu.memory_space<vmem>> -> memref<80x128xf32, #tpu.memory_space<vmem>>
    %dma_wait3A_175 = arith.constant 9920 : i32
    %dma_wait3A_176 = tpu.memref_slice %arg6[%dma_wait3A_175] : memref<10000xi32, #tpu.memory_space<vmem>> -> memref<80xi32, #tpu.memory_space<vmem>>
    %dma_wait3A_177 = arith.constant 0 : i32
    %dma_wait3A_178 = arith.constant 0 : i32
    %dma_wait3A_179 = tpu.memref_slice %arg2[%dma_wait3A_177, %dma_wait3A_178] : memref<10000x128xf32, #tpu.memory_space<hbm>> -> memref<10000x128xf32, #tpu.memory_space<hbm>>
    %dma_wait3A_180 = tpu.memref_slice %arg14[%dma_wait3A_170] : memref<2x!tpu.dma_semaphore, #tpu.memory_space<semaphore_mem>> -> memref<1x!tpu.dma_semaphore, #tpu.memory_space<semaphore_mem>>
    %dma_wait3A_181 = tpu.memref_squeeze %dma_wait3A_180 : memref<1x!tpu.dma_semaphore, #tpu.memory_space<semaphore_mem>> -> memref<!tpu.dma_semaphore, #tpu.memory_space<semaphore_mem>>
    tpu.wait_indirect_dma semaphore(%dma_wait3A_181 : memref<!tpu.dma_semaphore, #tpu.memory_space<semaphore_mem>>) src(%dma_wait3A_179 : memref<10000x128xf32, #tpu.memory_space<hbm>>) dst(%dma_wait3A_174 : memref<80x128xf32, #tpu.memory_space<vmem>>)
    %add3A_182 = arith.constant 320000 : i32
    %add3A_183 = arith.addi %add3A_182, %mul3A_2 : i32
    %add3A_184 = arith.constant 9920 : i32
    %add3A_185 = arith.addi %add3A_183, %add3A_184 : i32
    %dma_wait3A_186 = arith.constant 0 : i32
    %dma_wait3A_187 = arith.constant 0 : i32
    %dma_wait3A_188 = arith.constant 0 : i32
    %dma_wait3A_189 = tpu.memref_slice %arg7[%dma_wait3A_186, %dma_wait3A_188] : memref<2x80xi32, #tpu.memory_space<vmem>> -> memref<1x80xi32, #tpu.memory_space<vmem>>
    %dma_wait3A_190 = tpu.memref_squeeze %dma_wait3A_189 : memref<1x80xi32, #tpu.memory_space<vmem>> -> memref<80xi32, #tpu.memory_space<vmem>>
    %dma_wait3A_191 = tpu.memref_slice %arg3[%add3A_185] : memref<640000xi32, #tpu.memory_space<hbm>> -> memref<80xi32, #tpu.memory_space<hbm>>
    %dma_wait3A_192 = tpu.memref_slice %arg16[%dma_wait3A_187] : memref<2x!tpu.dma_semaphore, #tpu.memory_space<semaphore_mem>> -> memref<1x!tpu.dma_semaphore, #tpu.memory_space<semaphore_mem>>
    %dma_wait3A_193 = tpu.memref_squeeze %dma_wait3A_192 : memref<1x!tpu.dma_semaphore, #tpu.memory_space<semaphore_mem>> -> memref<!tpu.dma_semaphore, #tpu.memory_space<semaphore_mem>>
    %dma_wait3A_194 = arith.constant 0 : i32
    %dma_wait3A_195 = tpu.memref_slice %arg7[%dma_wait3A_186, %dma_wait3A_194] : memref<2x80xi32, #tpu.memory_space<vmem>> -> memref<1x80xi32, #tpu.memory_space<vmem>>
    %dma_wait3A_196 = tpu.memref_squeeze %dma_wait3A_195 : memref<1x80xi32, #tpu.memory_space<vmem>> -> memref<80xi32, #tpu.memory_space<vmem>>
    %dma_wait3A_197 = tpu.memref_slice %arg3[%add3A_185] : memref<640000xi32, #tpu.memory_space<hbm>> -> memref<80xi32, #tpu.memory_space<hbm>>
    tpu.wait_dma2 semaphore(%dma_wait3A_193 : memref<!tpu.dma_semaphore, #tpu.memory_space<semaphore_mem>>) src(%dma_wait3A_197 : memref<80xi32, #tpu.memory_space<hbm>>) dst(%dma_wait3A_196 : memref<80xi32, #tpu.memory_space<vmem>>)
    %dma_start3A_198 = arith.constant 0 : i32
    %dma_start3A_199 = arith.constant 0 : i32
    %dma_start3A_200 = arith.constant 0 : i32
    %dma_start3A_201 = arith.constant 0 : i32
    %dma_start3A_202 = arith.constant 0 : i32
    %dma_start3A_203 = tpu.memref_slice %arg8[%dma_start3A_198, %dma_start3A_201, %dma_start3A_202] : memref<2x80x128xf32, #tpu.memory_space<vmem>> -> memref<1x80x128xf32, #tpu.memory_space<vmem>>
    %dma_start3A_204 = tpu.memref_squeeze %dma_start3A_203 : memref<1x80x128xf32, #tpu.memory_space<vmem>> -> memref<80x128xf32, #tpu.memory_space<vmem>>
    %dma_start3A_205 = arith.constant 0 : i32
    %dma_start3A_206 = tpu.memref_slice %arg7[%dma_start3A_199, %dma_start3A_205] : memref<2x80xi32, #tpu.memory_space<vmem>> -> memref<1x80xi32, #tpu.memory_space<vmem>>
    %dma_start3A_207 = tpu.memref_squeeze %dma_start3A_206 : memref<1x80xi32, #tpu.memory_space<vmem>> -> memref<80xi32, #tpu.memory_space<vmem>>
    %dma_start3A_208 = arith.constant 0 : i32
    %dma_start3A_209 = arith.constant 0 : i32
    %dma_start3A_210 = tpu.memref_slice %arg12[%dma_start3A_208, %dma_start3A_209] : memref<10000x128xf32, #tpu.memory_space<vmem_shared>> -> memref<10000x128xf32, #tpu.memory_space<vmem_shared>>
    %dma_start3A_211 = tpu.memref_slice %arg15[%dma_start3A_200] : memref<2x!tpu.dma_semaphore, #tpu.memory_space<semaphore_mem>> -> memref<1x!tpu.dma_semaphore, #tpu.memory_space<semaphore_mem>>
    %dma_start3A_212 = tpu.memref_squeeze %dma_start3A_211 : memref<1x!tpu.dma_semaphore, #tpu.memory_space<semaphore_mem>> -> memref<!tpu.dma_semaphore, #tpu.memory_space<semaphore_mem>>
    tpu.enqueue_indirect_dma source(%dma_start3A_204 : memref<80x128xf32, #tpu.memory_space<vmem>>) target(%dma_start3A_210 : memref<10000x128xf32, #tpu.memory_space<vmem_shared>>) offsets(%dma_start3A_207 : memref<80xi32, #tpu.memory_space<vmem>>) semaphore(%dma_start3A_212 : memref<!tpu.dma_semaphore, #tpu.memory_space<semaphore_mem>>) {add = true}
    %dma_wait3A_213 = arith.constant 0 : i32
    %dma_wait3A_214 = arith.constant 0 : i32
    %dma_wait3A_215 = arith.constant 0 : i32
    %dma_wait3A_216 = arith.constant 0 : i32
    %dma_wait3A_217 = arith.constant 0 : i32
    %dma_wait3A_218 = tpu.memref_slice %arg8[%dma_wait3A_213, %dma_wait3A_216, %dma_wait3A_217] : memref<2x80x128xf32, #tpu.memory_space<vmem>> -> memref<1x80x128xf32, #tpu.memory_space<vmem>>
    %dma_wait3A_219 = tpu.memref_squeeze %dma_wait3A_218 : memref<1x80x128xf32, #tpu.memory_space<vmem>> -> memref<80x128xf32, #tpu.memory_space<vmem>>
    %dma_wait3A_220 = arith.constant 0 : i32
    %dma_wait3A_221 = tpu.memref_slice %arg7[%dma_wait3A_214, %dma_wait3A_220] : memref<2x80xi32, #tpu.memory_space<vmem>> -> memref<1x80xi32, #tpu.memory_space<vmem>>
    %dma_wait3A_222 = tpu.memref_squeeze %dma_wait3A_221 : memref<1x80xi32, #tpu.memory_space<vmem>> -> memref<80xi32, #tpu.memory_space<vmem>>
    %dma_wait3A_223 = arith.constant 0 : i32
    %dma_wait3A_224 = arith.constant 0 : i32
    %dma_wait3A_225 = tpu.memref_slice %arg12[%dma_wait3A_223, %dma_wait3A_224] : memref<10000x128xf32, #tpu.memory_space<vmem_shared>> -> memref<10000x128xf32, #tpu.memory_space<vmem_shared>>
    %dma_wait3A_226 = tpu.memref_slice %arg15[%dma_wait3A_215] : memref<2x!tpu.dma_semaphore, #tpu.memory_space<semaphore_mem>> -> memref<1x!tpu.dma_semaphore, #tpu.memory_space<semaphore_mem>>
    %dma_wait3A_227 = tpu.memref_squeeze %dma_wait3A_226 : memref<1x!tpu.dma_semaphore, #tpu.memory_space<semaphore_mem>> -> memref<!tpu.dma_semaphore, #tpu.memory_space<semaphore_mem>>
    tpu.wait_indirect_dma semaphore(%dma_wait3A_227 : memref<!tpu.dma_semaphore, #tpu.memory_space<semaphore_mem>>) src(%dma_wait3A_219 : memref<80x128xf32, #tpu.memory_space<vmem>>) dst(%dma_wait3A_225 : memref<10000x128xf32, #tpu.memory_space<vmem_shared>>)
    %dma_wait3A_228 = arith.constant 1 : i32
    %dma_wait3A_229 = arith.constant 1 : i32
    %dma_wait3A_230 = arith.constant 0 : i32
    %dma_wait3A_231 = tpu.memref_slice %arg7[%dma_wait3A_228, %dma_wait3A_230] : memref<2x80xi32, #tpu.memory_space<vmem>> -> memref<1x80xi32, #tpu.memory_space<vmem>>
    %dma_wait3A_232 = tpu.memref_squeeze %dma_wait3A_231 : memref<1x80xi32, #tpu.memory_space<vmem>> -> memref<80xi32, #tpu.memory_space<vmem>>
    %dma_wait3A_233 = arith.constant 0 : i32
    %dma_wait3A_234 = arith.constant 0 : i32
    %dma_wait3A_235 = tpu.memref_slice %arg13[%dma_wait3A_233, %dma_wait3A_234] : memref<10000x16xf32, #tpu.memory_space<vmem_shared>> -> memref<10000x16xf32, #tpu.memory_space<vmem_shared>>
    %dma_wait3A_236 = tpu.memref_slice %arg17[%dma_wait3A_229] : memref<2x!tpu.dma_semaphore, #tpu.memory_space<semaphore_mem>> -> memref<1x!tpu.dma_semaphore, #tpu.memory_space<semaphore_mem>>
    %dma_wait3A_237 = tpu.memref_squeeze %dma_wait3A_236 : memref<1x!tpu.dma_semaphore, #tpu.memory_space<semaphore_mem>> -> memref<!tpu.dma_semaphore, #tpu.memory_space<semaphore_mem>>
    tpu.wait_indirect_dma semaphore(%dma_wait3A_237 : memref<!tpu.dma_semaphore, #tpu.memory_space<semaphore_mem>>) src(%arg11 : memref<80x16xf32, #tpu.memory_space<vmem>>) dst(%dma_wait3A_235 : memref<10000x16xf32, #tpu.memory_space<vmem_shared>>)
    %dma_start3A_238 = arith.constant 0 : i32
    %dma_start3A_239 = arith.constant 0 : i32
    %dma_start3A_240 = arith.constant 0 : i32
    %dma_start3A_241 = tpu.memref_slice %arg7[%dma_start3A_238, %dma_start3A_240] : memref<2x80xi32, #tpu.memory_space<vmem>> -> memref<1x80xi32, #tpu.memory_space<vmem>>
    %dma_start3A_242 = tpu.memref_squeeze %dma_start3A_241 : memref<1x80xi32, #tpu.memory_space<vmem>> -> memref<80xi32, #tpu.memory_space<vmem>>
    %dma_start3A_243 = arith.constant 0 : i32
    %dma_start3A_244 = arith.constant 0 : i32
    %dma_start3A_245 = tpu.memref_slice %arg13[%dma_start3A_243, %dma_start3A_244] : memref<10000x16xf32, #tpu.memory_space<vmem_shared>> -> memref<10000x16xf32, #tpu.memory_space<vmem_shared>>
    %dma_start3A_246 = tpu.memref_slice %arg17[%dma_start3A_239] : memref<2x!tpu.dma_semaphore, #tpu.memory_space<semaphore_mem>> -> memref<1x!tpu.dma_semaphore, #tpu.memory_space<semaphore_mem>>
    %dma_start3A_247 = tpu.memref_squeeze %dma_start3A_246 : memref<1x!tpu.dma_semaphore, #tpu.memory_space<semaphore_mem>> -> memref<!tpu.dma_semaphore, #tpu.memory_space<semaphore_mem>>
    tpu.enqueue_indirect_dma source(%arg11 : memref<80x16xf32, #tpu.memory_space<vmem>>) target(%dma_start3A_245 : memref<10000x16xf32, #tpu.memory_space<vmem_shared>>) offsets(%dma_start3A_242 : memref<80xi32, #tpu.memory_space<vmem>>) semaphore(%dma_start3A_247 : memref<!tpu.dma_semaphore, #tpu.memory_space<semaphore_mem>>) {add = true}
    %dma_wait3A_248 = arith.constant 0 : i32
    %dma_wait3A_249 = arith.constant 0 : i32
    %dma_wait3A_250 = arith.constant 0 : i32
    %dma_wait3A_251 = tpu.memref_slice %arg7[%dma_wait3A_248, %dma_wait3A_250] : memref<2x80xi32, #tpu.memory_space<vmem>> -> memref<1x80xi32, #tpu.memory_space<vmem>>
    %dma_wait3A_252 = tpu.memref_squeeze %dma_wait3A_251 : memref<1x80xi32, #tpu.memory_space<vmem>> -> memref<80xi32, #tpu.memory_space<vmem>>
    %dma_wait3A_253 = arith.constant 0 : i32
    %dma_wait3A_254 = arith.constant 0 : i32
    %dma_wait3A_255 = tpu.memref_slice %arg13[%dma_wait3A_253, %dma_wait3A_254] : memref<10000x16xf32, #tpu.memory_space<vmem_shared>> -> memref<10000x16xf32, #tpu.memory_space<vmem_shared>>
    %dma_wait3A_256 = tpu.memref_slice %arg17[%dma_wait3A_249] : memref<2x!tpu.dma_semaphore, #tpu.memory_space<semaphore_mem>> -> memref<1x!tpu.dma_semaphore, #tpu.memory_space<semaphore_mem>>
    %dma_wait3A_257 = tpu.memref_squeeze %dma_wait3A_256 : memref<1x!tpu.dma_semaphore, #tpu.memory_space<semaphore_mem>> -> memref<!tpu.dma_semaphore, #tpu.memory_space<semaphore_mem>>
    tpu.wait_indirect_dma semaphore(%dma_wait3A_257 : memref<!tpu.dma_semaphore, #tpu.memory_space<semaphore_mem>>) src(%arg11 : memref<80x16xf32, #tpu.memory_space<vmem>>) dst(%dma_wait3A_255 : memref<10000x16xf32, #tpu.memory_space<vmem_shared>>)
    %barrier3A_258 = arith.constant 0 : index
    tpu.barrier barrier_id(%barrier3A_258)
    %mul3A_259 = arith.constant 625 : i32
    %mul3A_260 = arith.muli %arg1, %mul3A_259 : i32
    %mul3A_261 = arith.constant 625 : i32
    %mul3A_262 = arith.muli %arg1, %mul3A_261 : i32
    "tpu.region"() ({
      %run_scoped3A = tpu.sem_alloc : memref<!tpu.dma_semaphore, #tpu.memory_space<semaphore_mem>>
      %dma_start3A_267 = arith.constant 0 : i32
      %dma_start3A_268 = tpu.memref_slice %arg4[%arg0, %mul3A_262, %dma_start3A_267] : memref<2x10000x128xf32, #tpu.memory_space<hbm>> -> memref<1x625x128xf32, #tpu.memory_space<hbm>>
      %dma_start3A_269 = tpu.memref_squeeze %dma_start3A_268 : memref<1x625x128xf32, #tpu.memory_space<hbm>> -> memref<625x128xf32, #tpu.memory_space<hbm>>
      %dma_start3A_270 = arith.constant 0 : i32
      %dma_start3A_271 = tpu.memref_slice %arg12[%mul3A_260, %dma_start3A_270] : memref<10000x128xf32, #tpu.memory_space<vmem_shared>> -> memref<625x128xf32, #tpu.memory_space<vmem_shared>>
      tpu.enqueue_dma source(%dma_start3A_271 : memref<625x128xf32, #tpu.memory_space<vmem_shared>>) target(%dma_start3A_269 : memref<625x128xf32, #tpu.memory_space<hbm>>) target_semaphore(%run_scoped3A : memref<!tpu.dma_semaphore, #tpu.memory_space<semaphore_mem>>)
      %dma_wait3A_272 = arith.constant 0 : i32
      %dma_wait3A_273 = tpu.memref_slice %arg4[%arg0, %mul3A_262, %dma_wait3A_272] : memref<2x10000x128xf32, #tpu.memory_space<hbm>> -> memref<1x625x128xf32, #tpu.memory_space<hbm>>
      %dma_wait3A_274 = tpu.memref_squeeze %dma_wait3A_273 : memref<1x625x128xf32, #tpu.memory_space<hbm>> -> memref<625x128xf32, #tpu.memory_space<hbm>>
      %dma_wait3A_275 = arith.constant 0 : i32
      %dma_wait3A_276 = tpu.memref_slice %arg12[%mul3A_260, %dma_wait3A_275] : memref<10000x128xf32, #tpu.memory_space<vmem_shared>> -> memref<625x128xf32, #tpu.memory_space<vmem_shared>>
      tpu.wait_dma2 semaphore(%run_scoped3A : memref<!tpu.dma_semaphore, #tpu.memory_space<semaphore_mem>>) src(%dma_wait3A_276 : memref<625x128xf32, #tpu.memory_space<vmem_shared>>) dst(%dma_wait3A_274 : memref<625x128xf32, #tpu.memory_space<hbm>>)
      tpu.yield
    }) : () -> ()
    %mul3A_263 = arith.constant 625 : i32
    %mul3A_264 = arith.muli %arg1, %mul3A_263 : i32
    %mul3A_265 = arith.constant 625 : i32
    %mul3A_266 = arith.muli %arg1, %mul3A_265 : i32
    "tpu.region"() ({
      %run_scoped3A = tpu.sem_alloc : memref<!tpu.dma_semaphore, #tpu.memory_space<semaphore_mem>>
      %dma_start3A_267 = arith.constant 0 : i32
      %dma_start3A_268 = tpu.memref_slice %arg5[%arg0, %mul3A_266, %dma_start3A_267] : memref<2x10000x16xf32, #tpu.memory_space<hbm>> -> memref<1x625x16xf32, #tpu.memory_space<hbm>>
      %dma_start3A_269 = tpu.memref_squeeze %dma_start3A_268 : memref<1x625x16xf32, #tpu.memory_space<hbm>> -> memref<625x16xf32, #tpu.memory_space<hbm>>
      %dma_start3A_270 = arith.constant 0 : i32
      %dma_start3A_271 = tpu.memref_slice %arg13[%mul3A_264, %dma_start3A_270] : memref<10000x16xf32, #tpu.memory_space<vmem_shared>> -> memref<625x16xf32, #tpu.memory_space<vmem_shared>>
      tpu.enqueue_dma source(%dma_start3A_271 : memref<625x16xf32, #tpu.memory_space<vmem_shared>>) target(%dma_start3A_269 : memref<625x16xf32, #tpu.memory_space<hbm>>) target_semaphore(%run_scoped3A : memref<!tpu.dma_semaphore, #tpu.memory_space<semaphore_mem>>)
      %dma_wait3A_272 = arith.constant 0 : i32
      %dma_wait3A_273 = tpu.memref_slice %arg5[%arg0, %mul3A_266, %dma_wait3A_272] : memref<2x10000x16xf32, #tpu.memory_space<hbm>> -> memref<1x625x16xf32, #tpu.memory_space<hbm>>
      %dma_wait3A_274 = tpu.memref_squeeze %dma_wait3A_273 : memref<1x625x16xf32, #tpu.memory_space<hbm>> -> memref<625x16xf32, #tpu.memory_space<hbm>>
      %dma_wait3A_275 = arith.constant 0 : i32
      %dma_wait3A_276 = tpu.memref_slice %arg13[%mul3A_264, %dma_wait3A_275] : memref<10000x16xf32, #tpu.memory_space<vmem_shared>> -> memref<625x16xf32, #tpu.memory_space<vmem_shared>>
      tpu.wait_dma2 semaphore(%run_scoped3A : memref<!tpu.dma_semaphore, #tpu.memory_space<semaphore_mem>>) src(%dma_wait3A_276 : memref<625x16xf32, #tpu.memory_space<vmem_shared>>) dst(%dma_wait3A_274 : memref<625x16xf32, #tpu.memory_space<hbm>>)
      tpu.yield
    }) : () -> ()
    return
  }
}

#map = affine_map<(d0, d1) -> (0, 0)>
#map1 = affine_map<(d0, d1) -> (0)>
#map2 = affine_map<(d0, d1) -> (0, 0, 0)>
module attributes {stable_mosaic.version = 14 : i64} {
  func.func @sage_sc_agg_plain(%arg0: i32, %arg1: i32, %arg2: memref<10000x128xf32, #tpu.memory_space<hbm>>, %arg3: memref<640000xi32, #tpu.memory_space<hbm>>, %arg4: memref<2x10000x128xf32, #tpu.memory_space<hbm>>, %arg5: memref<10000xi32, #tpu.memory_space<vmem>>, %arg6: memref<2x80xi32, #tpu.memory_space<vmem>>, %arg7: memref<2x80x128xf32, #tpu.memory_space<vmem>>, %arg8: memref<25x128xf32, #tpu.memory_space<vmem>>, %arg9: memref<10000x128xf32, #tpu.memory_space<vmem_shared>>, %arg10: memref<2x!tpu.dma_semaphore, #tpu.memory_space<semaphore_mem>>, %arg11: memref<2x!tpu.dma_semaphore, #tpu.memory_space<semaphore_mem>>, %arg12: memref<2x!tpu.dma_semaphore, #tpu.memory_space<semaphore_mem>>) attributes {dimension_semantics = [#tpu.dimension_semantics<core_parallel>, #tpu.dimension_semantics<subcore_parallel>], iteration_bounds = array<i64: 2, 16>, scalar_prefetch = 0 : i64, scratch_operands = 8 : i64, tpu.core_type = #tpu.core_type<sc_vector_subcore>, window_params = [{transform_indices = #map}, {transform_indices = #map1}, {transform_indices = #map2}]} {
    %mul3A = arith.constant 16 : i32
    %mul3A_0 = arith.muli %arg0, %mul3A : i32
    %add3A = arith.addi %mul3A_0, %arg1 : i32
    %mul3A_1 = arith.constant 10000 : i32
    %mul3A_2 = arith.muli %add3A, %mul3A_1 : i32
    %broadcast_in_dim3A = arith.constant 0.000000e+00 : f32
    %broadcast_in_dim3A_3 = vector.broadcast %broadcast_in_dim3A : f32 to vector<16xf32>
    %scan3A = arith.constant 0 : i32
    %scan3A_4 = arith.constant 0 : i32
    %scan3A_5 = arith.constant 25 : i32
    %scan3A_6 = arith.addi %scan3A_4, %scan3A_5 : i32
    %scan3A_7 = arith.constant 1 : i32
    scf.for %scan3A_200 = %scan3A_4 to %scan3A_6 step %scan3A_7  : i32 {
      %swap3A = arith.index_cast %scan3A_200 : i32 to index
      %swap3A_201 = arith.constant 0 : index
      %swap3A_202 = tpu.vector_load %arg8[%swap3A, %swap3A_201] {strides = array<i32>} : memref<25x128xf32, #tpu.memory_space<vmem>>, vector<1x16xf32>,
      %swap3A_203 = vector.shape_cast %swap3A_202 : vector<1x16xf32> to vector<16xf32>
      %swap3A_204 = vector.shape_cast %broadcast_in_dim3A_3 : vector<16xf32> to vector<1x16xf32>
      tpu.vector_store %arg8[%swap3A, %swap3A_201], %swap3A_204 {strides = array<i32>} : memref<25x128xf32, #tpu.memory_space<vmem>>, vector<1x16xf32>,
      %swap3A_205 = arith.index_cast %scan3A_200 : i32 to index
      %swap3A_206 = arith.constant 16 : index
      %swap3A_207 = tpu.vector_load %arg8[%swap3A_205, %swap3A_206] {strides = array<i32>} : memref<25x128xf32, #tpu.memory_space<vmem>>, vector<1x16xf32>,
      %swap3A_208 = vector.shape_cast %swap3A_207 : vector<1x16xf32> to vector<16xf32>
      %swap3A_209 = vector.shape_cast %broadcast_in_dim3A_3 : vector<16xf32> to vector<1x16xf32>
      tpu.vector_store %arg8[%swap3A_205, %swap3A_206], %swap3A_209 {strides = array<i32>} : memref<25x128xf32, #tpu.memory_space<vmem>>, vector<1x16xf32>,
      %swap3A_210 = arith.index_cast %scan3A_200 : i32 to index
      %swap3A_211 = arith.constant 32 : index
      %swap3A_212 = tpu.vector_load %arg8[%swap3A_210, %swap3A_211] {strides = array<i32>} : memref<25x128xf32, #tpu.memory_space<vmem>>, vector<1x16xf32>,
      %swap3A_213 = vector.shape_cast %swap3A_212 : vector<1x16xf32> to vector<16xf32>
      %swap3A_214 = vector.shape_cast %broadcast_in_dim3A_3 : vector<16xf32> to vector<1x16xf32>
      tpu.vector_store %arg8[%swap3A_210, %swap3A_211], %swap3A_214 {strides = array<i32>} : memref<25x128xf32, #tpu.memory_space<vmem>>, vector<1x16xf32>,
      %swap3A_215 = arith.index_cast %scan3A_200 : i32 to index
      %swap3A_216 = arith.constant 48 : index
      %swap3A_217 = tpu.vector_load %arg8[%swap3A_215, %swap3A_216] {strides = array<i32>} : memref<25x128xf32, #tpu.memory_space<vmem>>, vector<1x16xf32>,
      %swap3A_218 = vector.shape_cast %swap3A_217 : vector<1x16xf32> to vector<16xf32>
      %swap3A_219 = vector.shape_cast %broadcast_in_dim3A_3 : vector<16xf32> to vector<1x16xf32>
      tpu.vector_store %arg8[%swap3A_215, %swap3A_216], %swap3A_219 {strides = array<i32>} : memref<25x128xf32, #tpu.memory_space<vmem>>, vector<1x16xf32>,
      %swap3A_220 = arith.index_cast %scan3A_200 : i32 to index
      %swap3A_221 = arith.constant 64 : index
      %swap3A_222 = tpu.vector_load %arg8[%swap3A_220, %swap3A_221] {strides = array<i32>} : memref<25x128xf32, #tpu.memory_space<vmem>>, vector<1x16xf32>,
      %swap3A_223 = vector.shape_cast %swap3A_222 : vector<1x16xf32> to vector<16xf32>
      %swap3A_224 = vector.shape_cast %broadcast_in_dim3A_3 : vector<16xf32> to vector<1x16xf32>
      tpu.vector_store %arg8[%swap3A_220, %swap3A_221], %swap3A_224 {strides = array<i32>} : memref<25x128xf32, #tpu.memory_space<vmem>>, vector<1x16xf32>,
      %swap3A_225 = arith.index_cast %scan3A_200 : i32 to index
      %swap3A_226 = arith.constant 80 : index
      %swap3A_227 = tpu.vector_load %arg8[%swap3A_225, %swap3A_226] {strides = array<i32>} : memref<25x128xf32, #tpu.memory_space<vmem>>, vector<1x16xf32>,
      %swap3A_228 = vector.shape_cast %swap3A_227 : vector<1x16xf32> to vector<16xf32>
      %swap3A_229 = vector.shape_cast %broadcast_in_dim3A_3 : vector<16xf32> to vector<1x16xf32>
      tpu.vector_store %arg8[%swap3A_225, %swap3A_226], %swap3A_229 {strides = array<i32>} : memref<25x128xf32, #tpu.memory_space<vmem>>, vector<1x16xf32>,
      %swap3A_230 = arith.index_cast %scan3A_200 : i32 to index
      %swap3A_231 = arith.constant 96 : index
      %swap3A_232 = tpu.vector_load %arg8[%swap3A_230, %swap3A_231] {strides = array<i32>} : memref<25x128xf32, #tpu.memory_space<vmem>>, vector<1x16xf32>,
      %swap3A_233 = vector.shape_cast %swap3A_232 : vector<1x16xf32> to vector<16xf32>
      %swap3A_234 = vector.shape_cast %broadcast_in_dim3A_3 : vector<16xf32> to vector<1x16xf32>
      tpu.vector_store %arg8[%swap3A_230, %swap3A_231], %swap3A_234 {strides = array<i32>} : memref<25x128xf32, #tpu.memory_space<vmem>>, vector<1x16xf32>,
      %swap3A_235 = arith.index_cast %scan3A_200 : i32 to index
      %swap3A_236 = arith.constant 112 : index
      %swap3A_237 = tpu.vector_load %arg8[%swap3A_235, %swap3A_236] {strides = array<i32>} : memref<25x128xf32, #tpu.memory_space<vmem>>, vector<1x16xf32>,
      %swap3A_238 = vector.shape_cast %swap3A_237 : vector<1x16xf32> to vector<16xf32>
      %swap3A_239 = vector.shape_cast %broadcast_in_dim3A_3 : vector<16xf32> to vector<1x16xf32>
      tpu.vector_store %arg8[%swap3A_235, %swap3A_236], %swap3A_239 {strides = array<i32>} : memref<25x128xf32, #tpu.memory_space<vmem>>, vector<1x16xf32>,
    }
    %scan3A_8 = arith.constant 25 : i32
    %scan3A_9 = arith.constant 0 : i32
    %scan3A_10 = arith.constant 0 : i32
    %scan3A_11 = arith.constant 25 : i32
    %scan3A_12 = arith.addi %scan3A_10, %scan3A_11 : i32
    %scan3A_13 = arith.constant 1 : i32
    scf.for %scan3A_200 = %scan3A_10 to %scan3A_12 step %scan3A_13  : i32 {
      %mul3A_201 = arith.constant 625 : i32
      %mul3A_202 = arith.muli %arg1, %mul3A_201 : i32
      %mul3A_203 = arith.constant 25 : i32
      %mul3A_204 = arith.muli %scan3A_200, %mul3A_203 : i32
      %add3A_205 = arith.addi %mul3A_202, %mul3A_204 : i32
      "tpu.region"() ({
        %run_scoped3A = tpu.sem_alloc : memref<!tpu.dma_semaphore, #tpu.memory_space<semaphore_mem>>
        %dma_start3A_206 = arith.constant 0 : i32
        %dma_start3A_207 = tpu.memref_slice %arg9[%add3A_205, %dma_start3A_206] : memref<10000x128xf32, #tpu.memory_space<vmem_shared>> -> memref<25x128xf32, #tpu.memory_space<vmem_shared>>
        %dma_start3A_208 = arith.constant 0 : i32
        %dma_start3A_209 = tpu.memref_slice %arg9[%add3A_205, %dma_start3A_208] : memref<10000x128xf32, #tpu.memory_space<vmem_shared>> -> memref<25x128xf32, #tpu.memory_space<vmem_shared>>
        tpu.enqueue_dma source(%arg8 : memref<25x128xf32, #tpu.memory_space<vmem>>) target(%dma_start3A_209 : memref<25x128xf32, #tpu.memory_space<vmem_shared>>) target_semaphore(%run_scoped3A : memref<!tpu.dma_semaphore, #tpu.memory_space<semaphore_mem>>)
        %dma_wait3A_210 = arith.constant 0 : i32
        %dma_wait3A_211 = tpu.memref_slice %arg9[%add3A_205, %dma_wait3A_210] : memref<10000x128xf32, #tpu.memory_space<vmem_shared>> -> memref<25x128xf32, #tpu.memory_space<vmem_shared>>
        %dma_wait3A_212 = arith.constant 0 : i32
        %dma_wait3A_213 = tpu.memref_slice %arg9[%add3A_205, %dma_wait3A_212] : memref<10000x128xf32, #tpu.memory_space<vmem_shared>> -> memref<25x128xf32, #tpu.memory_space<vmem_shared>>
        tpu.wait_dma2 semaphore(%run_scoped3A : memref<!tpu.dma_semaphore, #tpu.memory_space<semaphore_mem>>) src(%arg8 : memref<25x128xf32, #tpu.memory_space<vmem>>) dst(%dma_wait3A_213 : memref<25x128xf32, #tpu.memory_space<vmem_shared>>)
        tpu.yield
      }) : () -> ()
    }
    %scan3A_14 = arith.constant 25 : i32
    %barrier3A = arith.constant 0 : index
    tpu.barrier barrier_id(%barrier3A)
    "tpu.region"() ({
      %run_scoped3A = tpu.sem_alloc : memref<!tpu.dma_semaphore, #tpu.memory_space<semaphore_mem>>
      %dma_start3A_200 = tpu.memref_slice %arg3[%mul3A_2] : memref<640000xi32, #tpu.memory_space<hbm>> -> memref<10000xi32, #tpu.memory_space<hbm>>
      %dma_start3A_201 = tpu.memref_slice %arg3[%mul3A_2] : memref<640000xi32, #tpu.memory_space<hbm>> -> memref<10000xi32, #tpu.memory_space<hbm>>
      tpu.enqueue_dma source(%dma_start3A_201 : memref<10000xi32, #tpu.memory_space<hbm>>) target(%arg5 : memref<10000xi32, #tpu.memory_space<vmem>>) target_semaphore(%run_scoped3A : memref<!tpu.dma_semaphore, #tpu.memory_space<semaphore_mem>>)
      %dma_wait3A_202 = tpu.memref_slice %arg3[%mul3A_2] : memref<640000xi32, #tpu.memory_space<hbm>> -> memref<10000xi32, #tpu.memory_space<hbm>>
      %dma_wait3A_203 = tpu.memref_slice %arg3[%mul3A_2] : memref<640000xi32, #tpu.memory_space<hbm>> -> memref<10000xi32, #tpu.memory_space<hbm>>
      tpu.wait_dma2 semaphore(%run_scoped3A : memref<!tpu.dma_semaphore, #tpu.memory_space<semaphore_mem>>) src(%dma_wait3A_203 : memref<10000xi32, #tpu.memory_space<hbm>>) dst(%arg5 : memref<10000xi32, #tpu.memory_space<vmem>>)
      tpu.yield
    }) : () -> ()
    %add3A_15 = arith.constant 320000 : i32
    %add3A_16 = arith.addi %add3A_15, %mul3A_2 : i32
    %add3A_17 = arith.constant 0 : i32
    %add3A_18 = arith.addi %add3A_16, %add3A_17 : i32
    %dma_start3A = arith.constant 0 : i32
    %dma_start3A_19 = arith.constant 0 : i32
    %dma_start3A_20 = arith.constant 0 : i32
    %dma_start3A_21 = tpu.memref_slice %arg6[%dma_start3A, %dma_start3A_20] : memref<2x80xi32, #tpu.memory_space<vmem>> -> memref<1x80xi32, #tpu.memory_space<vmem>>
    %dma_start3A_22 = tpu.memref_squeeze %dma_start3A_21 : memref<1x80xi32, #tpu.memory_space<vmem>> -> memref<80xi32, #tpu.memory_space<vmem>>
    %dma_start3A_23 = tpu.memref_slice %arg3[%add3A_18] : memref<640000xi32, #tpu.memory_space<hbm>> -> memref<80xi32, #tpu.memory_space<hbm>>
    %dma_start3A_24 = tpu.memref_slice %arg12[%dma_start3A_19] : memref<2x!tpu.dma_semaphore, #tpu.memory_space<semaphore_mem>> -> memref<1x!tpu.dma_semaphore, #tpu.memory_space<semaphore_mem>>
    %dma_start3A_25 = tpu.memref_squeeze %dma_start3A_24 : memref<1x!tpu.dma_semaphore, #tpu.memory_space<semaphore_mem>> -> memref<!tpu.dma_semaphore, #tpu.memory_space<semaphore_mem>>
    %dma_start3A_26 = arith.constant 0 : i32
    %dma_start3A_27 = tpu.memref_slice %arg6[%dma_start3A, %dma_start3A_26] : memref<2x80xi32, #tpu.memory_space<vmem>> -> memref<1x80xi32, #tpu.memory_space<vmem>>
    %dma_start3A_28 = tpu.memref_squeeze %dma_start3A_27 : memref<1x80xi32, #tpu.memory_space<vmem>> -> memref<80xi32, #tpu.memory_space<vmem>>
    %dma_start3A_29 = tpu.memref_slice %arg3[%add3A_18] : memref<640000xi32, #tpu.memory_space<hbm>> -> memref<80xi32, #tpu.memory_space<hbm>>
    tpu.enqueue_dma source(%dma_start3A_29 : memref<80xi32, #tpu.memory_space<hbm>>) target(%dma_start3A_28 : memref<80xi32, #tpu.memory_space<vmem>>) target_semaphore(%dma_start3A_25 : memref<!tpu.dma_semaphore, #tpu.memory_space<semaphore_mem>>)
    %dma_start3A_30 = arith.constant 0 : i32
    %dma_start3A_31 = arith.constant 0 : i32
    %dma_start3A_32 = arith.constant 0 : i32
    %dma_start3A_33 = arith.constant 0 : i32
    %dma_start3A_34 = tpu.memref_slice %arg7[%dma_start3A_30, %dma_start3A_32, %dma_start3A_33] : memref<2x80x128xf32, #tpu.memory_space<vmem>> -> memref<1x80x128xf32, #tpu.memory_space<vmem>>
    %dma_start3A_35 = tpu.memref_squeeze %dma_start3A_34 : memref<1x80x128xf32, #tpu.memory_space<vmem>> -> memref<80x128xf32, #tpu.memory_space<vmem>>
    %dma_start3A_36 = arith.constant 0 : i32
    %dma_start3A_37 = tpu.memref_slice %arg5[%dma_start3A_36] : memref<10000xi32, #tpu.memory_space<vmem>> -> memref<80xi32, #tpu.memory_space<vmem>>
    %dma_start3A_38 = arith.constant 0 : i32
    %dma_start3A_39 = arith.constant 0 : i32
    %dma_start3A_40 = tpu.memref_slice %arg2[%dma_start3A_38, %dma_start3A_39] : memref<10000x128xf32, #tpu.memory_space<hbm>> -> memref<10000x128xf32, #tpu.memory_space<hbm>>
    %dma_start3A_41 = tpu.memref_slice %arg10[%dma_start3A_31] : memref<2x!tpu.dma_semaphore, #tpu.memory_space<semaphore_mem>> -> memref<1x!tpu.dma_semaphore, #tpu.memory_space<semaphore_mem>>
    %dma_start3A_42 = tpu.memref_squeeze %dma_start3A_41 : memref<1x!tpu.dma_semaphore, #tpu.memory_space<semaphore_mem>> -> memref<!tpu.dma_semaphore, #tpu.memory_space<semaphore_mem>>
    tpu.enqueue_indirect_dma source(%dma_start3A_40 : memref<10000x128xf32, #tpu.memory_space<hbm>>) target(%dma_start3A_35 : memref<80x128xf32, #tpu.memory_space<vmem>>) offsets(%dma_start3A_37 : memref<80xi32, #tpu.memory_space<vmem>>) semaphore(%dma_start3A_42 : memref<!tpu.dma_semaphore, #tpu.memory_space<semaphore_mem>>)
    %add3A_43 = arith.constant 320000 : i32
    %add3A_44 = arith.addi %add3A_43, %mul3A_2 : i32
    %add3A_45 = arith.constant 80 : i32
    %add3A_46 = arith.addi %add3A_44, %add3A_45 : i32
    %dma_start3A_47 = arith.constant 1 : i32
    %dma_start3A_48 = arith.constant 1 : i32
    %dma_start3A_49 = arith.constant 0 : i32
    %dma_start3A_50 = tpu.memref_slice %arg6[%dma_start3A_47, %dma_start3A_49] : memref<2x80xi32, #tpu.memory_space<vmem>> -> memref<1x80xi32, #tpu.memory_space<vmem>>
    %dma_start3A_51 = tpu.memref_squeeze %dma_start3A_50 : memref<1x80xi32, #tpu.memory_space<vmem>> -> memref<80xi32, #tpu.memory_space<vmem>>
    %dma_start3A_52 = tpu.memref_slice %arg3[%add3A_46] : memref<640000xi32, #tpu.memory_space<hbm>> -> memref<80xi32, #tpu.memory_space<hbm>>
    %dma_start3A_53 = tpu.memref_slice %arg12[%dma_start3A_48] : memref<2x!tpu.dma_semaphore, #tpu.memory_space<semaphore_mem>> -> memref<1x!tpu.dma_semaphore, #tpu.memory_space<semaphore_mem>>
    %dma_start3A_54 = tpu.memref_squeeze %dma_start3A_53 : memref<1x!tpu.dma_semaphore, #tpu.memory_space<semaphore_mem>> -> memref<!tpu.dma_semaphore, #tpu.memory_space<semaphore_mem>>
    %dma_start3A_55 = arith.constant 0 : i32
    %dma_start3A_56 = tpu.memref_slice %arg6[%dma_start3A_47, %dma_start3A_55] : memref<2x80xi32, #tpu.memory_space<vmem>> -> memref<1x80xi32, #tpu.memory_space<vmem>>
    %dma_start3A_57 = tpu.memref_squeeze %dma_start3A_56 : memref<1x80xi32, #tpu.memory_space<vmem>> -> memref<80xi32, #tpu.memory_space<vmem>>
    %dma_start3A_58 = tpu.memref_slice %arg3[%add3A_46] : memref<640000xi32, #tpu.memory_space<hbm>> -> memref<80xi32, #tpu.memory_space<hbm>>
    tpu.enqueue_dma source(%dma_start3A_58 : memref<80xi32, #tpu.memory_space<hbm>>) target(%dma_start3A_57 : memref<80xi32, #tpu.memory_space<vmem>>) target_semaphore(%dma_start3A_54 : memref<!tpu.dma_semaphore, #tpu.memory_space<semaphore_mem>>)
    %dma_start3A_59 = arith.constant 1 : i32
    %dma_start3A_60 = arith.constant 1 : i32
    %dma_start3A_61 = arith.constant 0 : i32
    %dma_start3A_62 = arith.constant 0 : i32
    %dma_start3A_63 = tpu.memref_slice %arg7[%dma_start3A_59, %dma_start3A_61, %dma_start3A_62] : memref<2x80x128xf32, #tpu.memory_space<vmem>> -> memref<1x80x128xf32, #tpu.memory_space<vmem>>
    %dma_start3A_64 = tpu.memref_squeeze %dma_start3A_63 : memref<1x80x128xf32, #tpu.memory_space<vmem>> -> memref<80x128xf32, #tpu.memory_space<vmem>>
    %dma_start3A_65 = arith.constant 80 : i32
    %dma_start3A_66 = tpu.memref_slice %arg5[%dma_start3A_65] : memref<10000xi32, #tpu.memory_space<vmem>> -> memref<80xi32, #tpu.memory_space<vmem>>
    %dma_start3A_67 = arith.constant 0 : i32
    %dma_start3A_68 = arith.constant 0 : i32
    %dma_start3A_69 = tpu.memref_slice %arg2[%dma_start3A_67, %dma_start3A_68] : memref<10000x128xf32, #tpu.memory_space<hbm>> -> memref<10000x128xf32, #tpu.memory_space<hbm>>
    %dma_start3A_70 = tpu.memref_slice %arg10[%dma_start3A_60] : memref<2x!tpu.dma_semaphore, #tpu.memory_space<semaphore_mem>> -> memref<1x!tpu.dma_semaphore, #tpu.memory_space<semaphore_mem>>
    %dma_start3A_71 = tpu.memref_squeeze %dma_start3A_70 : memref<1x!tpu.dma_semaphore, #tpu.memory_space<semaphore_mem>> -> memref<!tpu.dma_semaphore, #tpu.memory_space<semaphore_mem>>
    tpu.enqueue_indirect_dma source(%dma_start3A_69 : memref<10000x128xf32, #tpu.memory_space<hbm>>) target(%dma_start3A_64 : memref<80x128xf32, #tpu.memory_space<vmem>>) offsets(%dma_start3A_66 : memref<80xi32, #tpu.memory_space<vmem>>) semaphore(%dma_start3A_71 : memref<!tpu.dma_semaphore, #tpu.memory_space<semaphore_mem>>)
    %dma_wait3A = arith.constant 0 : i32
    %dma_wait3A_72 = arith.constant 0 : i32
    %dma_wait3A_73 = arith.constant 0 : i32
    %dma_wait3A_74 = arith.constant 0 : i32
    %dma_wait3A_75 = tpu.memref_slice %arg7[%dma_wait3A, %dma_wait3A_73, %dma_wait3A_74] : memref<2x80x128xf32, #tpu.memory_space<vmem>> -> memref<1x80x128xf32, #tpu.memory_space<vmem>>
    %dma_wait3A_76 = tpu.memref_squeeze %dma_wait3A_75 : memref<1x80x128xf32, #tpu.memory_space<vmem>> -> memref<80x128xf32, #tpu.memory_space<vmem>>
    %dma_wait3A_77 = arith.constant 0 : i32
    %dma_wait3A_78 = tpu.memref_slice %arg5[%dma_wait3A_77] : memref<10000xi32, #tpu.memory_space<vmem>> -> memref<80xi32, #tpu.memory_space<vmem>>
    %dma_wait3A_79 = arith.constant 0 : i32
    %dma_wait3A_80 = arith.constant 0 : i32
    %dma_wait3A_81 = tpu.memref_slice %arg2[%dma_wait3A_79, %dma_wait3A_80] : memref<10000x128xf32, #tpu.memory_space<hbm>> -> memref<10000x128xf32, #tpu.memory_space<hbm>>
    %dma_wait3A_82 = tpu.memref_slice %arg10[%dma_wait3A_72] : memref<2x!tpu.dma_semaphore, #tpu.memory_space<semaphore_mem>> -> memref<1x!tpu.dma_semaphore, #tpu.memory_space<semaphore_mem>>
    %dma_wait3A_83 = tpu.memref_squeeze %dma_wait3A_82 : memref<1x!tpu.dma_semaphore, #tpu.memory_space<semaphore_mem>> -> memref<!tpu.dma_semaphore, #tpu.memory_space<semaphore_mem>>
    tpu.wait_indirect_dma semaphore(%dma_wait3A_83 : memref<!tpu.dma_semaphore, #tpu.memory_space<semaphore_mem>>) src(%dma_wait3A_81 : memref<10000x128xf32, #tpu.memory_space<hbm>>) dst(%dma_wait3A_76 : memref<80x128xf32, #tpu.memory_space<vmem>>)
    %add3A_84 = arith.constant 320000 : i32
    %add3A_85 = arith.addi %add3A_84, %mul3A_2 : i32
    %add3A_86 = arith.constant 0 : i32
    %add3A_87 = arith.addi %add3A_85, %add3A_86 : i32
    %dma_wait3A_88 = arith.constant 0 : i32
    %dma_wait3A_89 = arith.constant 0 : i32
    %dma_wait3A_90 = arith.constant 0 : i32
    %dma_wait3A_91 = tpu.memref_slice %arg6[%dma_wait3A_88, %dma_wait3A_90] : memref<2x80xi32, #tpu.memory_space<vmem>> -> memref<1x80xi32, #tpu.memory_space<vmem>>
    %dma_wait3A_92 = tpu.memref_squeeze %dma_wait3A_91 : memref<1x80xi32, #tpu.memory_space<vmem>> -> memref<80xi32, #tpu.memory_space<vmem>>
    %dma_wait3A_93 = tpu.memref_slice %arg3[%add3A_87] : memref<640000xi32, #tpu.memory_space<hbm>> -> memref<80xi32, #tpu.memory_space<hbm>>
    %dma_wait3A_94 = tpu.memref_slice %arg12[%dma_wait3A_89] : memref<2x!tpu.dma_semaphore, #tpu.memory_space<semaphore_mem>> -> memref<1x!tpu.dma_semaphore, #tpu.memory_space<semaphore_mem>>
    %dma_wait3A_95 = tpu.memref_squeeze %dma_wait3A_94 : memref<1x!tpu.dma_semaphore, #tpu.memory_space<semaphore_mem>> -> memref<!tpu.dma_semaphore, #tpu.memory_space<semaphore_mem>>
    %dma_wait3A_96 = arith.constant 0 : i32
    %dma_wait3A_97 = tpu.memref_slice %arg6[%dma_wait3A_88, %dma_wait3A_96] : memref<2x80xi32, #tpu.memory_space<vmem>> -> memref<1x80xi32, #tpu.memory_space<vmem>>
    %dma_wait3A_98 = tpu.memref_squeeze %dma_wait3A_97 : memref<1x80xi32, #tpu.memory_space<vmem>> -> memref<80xi32, #tpu.memory_space<vmem>>
    %dma_wait3A_99 = tpu.memref_slice %arg3[%add3A_87] : memref<640000xi32, #tpu.memory_space<hbm>> -> memref<80xi32, #tpu.memory_space<hbm>>
    tpu.wait_dma2 semaphore(%dma_wait3A_95 : memref<!tpu.dma_semaphore, #tpu.memory_space<semaphore_mem>>) src(%dma_wait3A_99 : memref<80xi32, #tpu.memory_space<hbm>>) dst(%dma_wait3A_98 : memref<80xi32, #tpu.memory_space<vmem>>)
    %dma_start3A_100 = arith.constant 0 : i32
    %dma_start3A_101 = arith.constant 0 : i32
    %dma_start3A_102 = arith.constant 0 : i32
    %dma_start3A_103 = arith.constant 0 : i32
    %dma_start3A_104 = arith.constant 0 : i32
    %dma_start3A_105 = tpu.memref_slice %arg7[%dma_start3A_100, %dma_start3A_103, %dma_start3A_104] : memref<2x80x128xf32, #tpu.memory_space<vmem>> -> memref<1x80x128xf32, #tpu.memory_space<vmem>>
    %dma_start3A_106 = tpu.memref_squeeze %dma_start3A_105 : memref<1x80x128xf32, #tpu.memory_space<vmem>> -> memref<80x128xf32, #tpu.memory_space<vmem>>
    %dma_start3A_107 = arith.constant 0 : i32
    %dma_start3A_108 = tpu.memref_slice %arg6[%dma_start3A_101, %dma_start3A_107] : memref<2x80xi32, #tpu.memory_space<vmem>> -> memref<1x80xi32, #tpu.memory_space<vmem>>
    %dma_start3A_109 = tpu.memref_squeeze %dma_start3A_108 : memref<1x80xi32, #tpu.memory_space<vmem>> -> memref<80xi32, #tpu.memory_space<vmem>>
    %dma_start3A_110 = arith.constant 0 : i32
    %dma_start3A_111 = arith.constant 0 : i32
    %dma_start3A_112 = tpu.memref_slice %arg9[%dma_start3A_110, %dma_start3A_111] : memref<10000x128xf32, #tpu.memory_space<vmem_shared>> -> memref<10000x128xf32, #tpu.memory_space<vmem_shared>>
    %dma_start3A_113 = tpu.memref_slice %arg11[%dma_start3A_102] : memref<2x!tpu.dma_semaphore, #tpu.memory_space<semaphore_mem>> -> memref<1x!tpu.dma_semaphore, #tpu.memory_space<semaphore_mem>>
    %dma_start3A_114 = tpu.memref_squeeze %dma_start3A_113 : memref<1x!tpu.dma_semaphore, #tpu.memory_space<semaphore_mem>> -> memref<!tpu.dma_semaphore, #tpu.memory_space<semaphore_mem>>
    tpu.enqueue_indirect_dma source(%dma_start3A_106 : memref<80x128xf32, #tpu.memory_space<vmem>>) target(%dma_start3A_112 : memref<10000x128xf32, #tpu.memory_space<vmem_shared>>) offsets(%dma_start3A_109 : memref<80xi32, #tpu.memory_space<vmem>>) semaphore(%dma_start3A_114 : memref<!tpu.dma_semaphore, #tpu.memory_space<semaphore_mem>>) {add = true}
    %scan3A_115 = arith.constant 0 : i32
    %scan3A_116 = arith.constant 1 : i32
    %scan3A_117 = arith.constant 123 : i32
    %scan3A_118 = arith.addi %scan3A_116, %scan3A_117 : i32
    %scan3A_119 = arith.constant 1 : i32
    scf.for %scan3A_200 = %scan3A_116 to %scan3A_118 step %scan3A_119  : i32 {
      %rem3A = arith.constant 2 : i32
      %rem3A_201 = arith.remsi %scan3A_200, %rem3A : i32
      %add3A_202 = arith.constant 1 : i32
      %add3A_203 = arith.addi %scan3A_200, %add3A_202 : i32
      %rem3A_204 = arith.constant 2 : i32
      %rem3A_205 = arith.remsi %add3A_203, %rem3A_204 : i32
      %dma_wait3A_206 = arith.constant 0 : i32
      %dma_wait3A_207 = arith.constant 0 : i32
      %dma_wait3A_208 = tpu.memref_slice %arg7[%rem3A_205, %dma_wait3A_206, %dma_wait3A_207] : memref<2x80x128xf32, #tpu.memory_space<vmem>> -> memref<1x80x128xf32, #tpu.memory_space<vmem>>
      %dma_wait3A_209 = tpu.memref_squeeze %dma_wait3A_208 : memref<1x80x128xf32, #tpu.memory_space<vmem>> -> memref<80x128xf32, #tpu.memory_space<vmem>>
      %dma_wait3A_210 = arith.constant 0 : i32
      %dma_wait3A_211 = tpu.memref_slice %arg6[%rem3A_205, %dma_wait3A_210] : memref<2x80xi32, #tpu.memory_space<vmem>> -> memref<1x80xi32, #tpu.memory_space<vmem>>
      %dma_wait3A_212 = tpu.memref_squeeze %dma_wait3A_211 : memref<1x80xi32, #tpu.memory_space<vmem>> -> memref<80xi32, #tpu.memory_space<vmem>>
      %dma_wait3A_213 = arith.constant 0 : i32
      %dma_wait3A_214 = arith.constant 0 : i32
      %dma_wait3A_215 = tpu.memref_slice %arg9[%dma_wait3A_213, %dma_wait3A_214] : memref<10000x128xf32, #tpu.memory_space<vmem_shared>> -> memref<10000x128xf32, #tpu.memory_space<vmem_shared>>
      %dma_wait3A_216 = tpu.memref_slice %arg11[%rem3A_205] : memref<2x!tpu.dma_semaphore, #tpu.memory_space<semaphore_mem>> -> memref<1x!tpu.dma_semaphore, #tpu.memory_space<semaphore_mem>>
      %dma_wait3A_217 = tpu.memref_squeeze %dma_wait3A_216 : memref<1x!tpu.dma_semaphore, #tpu.memory_space<semaphore_mem>> -> memref<!tpu.dma_semaphore, #tpu.memory_space<semaphore_mem>>
      tpu.wait_indirect_dma semaphore(%dma_wait3A_217 : memref<!tpu.dma_semaphore, #tpu.memory_space<semaphore_mem>>) src(%dma_wait3A_209 : memref<80x128xf32, #tpu.memory_space<vmem>>) dst(%dma_wait3A_215 : memref<10000x128xf32, #tpu.memory_space<vmem_shared>>)
      %add3A_218 = arith.constant 1 : i32
      %add3A_219 = arith.addi %scan3A_200, %add3A_218 : i32
      %add3A_220 = arith.constant 320000 : i32
      %add3A_221 = arith.addi %add3A_220, %mul3A_2 : i32
      %mul3A_222 = arith.constant 80 : i32
      %mul3A_223 = arith.muli %add3A_219, %mul3A_222 : i32
      %add3A_224 = arith.addi %add3A_221, %mul3A_223 : i32
      %dma_start3A_225 = arith.constant 0 : i32
      %dma_start3A_226 = tpu.memref_slice %arg6[%rem3A_205, %dma_start3A_225] : memref<2x80xi32, #tpu.memory_space<vmem>> -> memref<1x80xi32, #tpu.memory_space<vmem>>
      %dma_start3A_227 = tpu.memref_squeeze %dma_start3A_226 : memref<1x80xi32, #tpu.memory_space<vmem>> -> memref<80xi32, #tpu.memory_space<vmem>>
      %dma_start3A_228 = tpu.memref_slice %arg3[%add3A_224] : memref<640000xi32, #tpu.memory_space<hbm>> -> memref<80xi32, #tpu.memory_space<hbm>>
      %dma_start3A_229 = tpu.memref_slice %arg12[%rem3A_205] : memref<2x!tpu.dma_semaphore, #tpu.memory_space<semaphore_mem>> -> memref<1x!tpu.dma_semaphore, #tpu.memory_space<semaphore_mem>>
      %dma_start3A_230 = tpu.memref_squeeze %dma_start3A_229 : memref<1x!tpu.dma_semaphore, #tpu.memory_space<semaphore_mem>> -> memref<!tpu.dma_semaphore, #tpu.memory_space<semaphore_mem>>
      %dma_start3A_231 = arith.constant 0 : i32
      %dma_start3A_232 = tpu.memref_slice %arg6[%rem3A_205, %dma_start3A_231] : memref<2x80xi32, #tpu.memory_space<vmem>> -> memref<1x80xi32, #tpu.memory_space<vmem>>
      %dma_start3A_233 = tpu.memref_squeeze %dma_start3A_232 : memref<1x80xi32, #tpu.memory_space<vmem>> -> memref<80xi32, #tpu.memory_space<vmem>>
      %dma_start3A_234 = tpu.memref_slice %arg3[%add3A_224] : memref<640000xi32, #tpu.memory_space<hbm>> -> memref<80xi32, #tpu.memory_space<hbm>>
      tpu.enqueue_dma source(%dma_start3A_234 : memref<80xi32, #tpu.memory_space<hbm>>) target(%dma_start3A_233 : memref<80xi32, #tpu.memory_space<vmem>>) target_semaphore(%dma_start3A_230 : memref<!tpu.dma_semaphore, #tpu.memory_space<semaphore_mem>>)
      %add3A_235 = arith.constant 1 : i32
      %add3A_236 = arith.addi %scan3A_200, %add3A_235 : i32
      %mul3A_237 = arith.constant 80 : i32
      %mul3A_238 = arith.muli %add3A_236, %mul3A_237 : i32
      %dma_start3A_239 = arith.constant 0 : i32
      %dma_start3A_240 = arith.constant 0 : i32
      %dma_start3A_241 = tpu.memref_slice %arg7[%rem3A_205, %dma_start3A_239, %dma_start3A_240] : memref<2x80x128xf32, #tpu.memory_space<vmem>> -> memref<1x80x128xf32, #tpu.memory_space<vmem>>
      %dma_start3A_242 = tpu.memref_squeeze %dma_start3A_241 : memref<1x80x128xf32, #tpu.memory_space<vmem>> -> memref<80x128xf32, #tpu.memory_space<vmem>>
      %dma_start3A_243 = tpu.memref_slice %arg5[%mul3A_238] : memref<10000xi32, #tpu.memory_space<vmem>> -> memref<80xi32, #tpu.memory_space<vmem>>
      %dma_start3A_244 = arith.constant 0 : i32
      %dma_start3A_245 = arith.constant 0 : i32
      %dma_start3A_246 = tpu.memref_slice %arg2[%dma_start3A_244, %dma_start3A_245] : memref<10000x128xf32, #tpu.memory_space<hbm>> -> memref<10000x128xf32, #tpu.memory_space<hbm>>
      %dma_start3A_247 = tpu.memref_slice %arg10[%rem3A_205] : memref<2x!tpu.dma_semaphore, #tpu.memory_space<semaphore_mem>> -> memref<1x!tpu.dma_semaphore, #tpu.memory_space<semaphore_mem>>
      %dma_start3A_248 = tpu.memref_squeeze %dma_start3A_247 : memref<1x!tpu.dma_semaphore, #tpu.memory_space<semaphore_mem>> -> memref<!tpu.dma_semaphore, #tpu.memory_space<semaphore_mem>>
      tpu.enqueue_indirect_dma source(%dma_start3A_246 : memref<10000x128xf32, #tpu.memory_space<hbm>>) target(%dma_start3A_242 : memref<80x128xf32, #tpu.memory_space<vmem>>) offsets(%dma_start3A_243 : memref<80xi32, #tpu.memory_space<vmem>>) semaphore(%dma_start3A_248 : memref<!tpu.dma_semaphore, #tpu.memory_space<semaphore_mem>>)
      %mul3A_249 = arith.constant 80 : i32
      %mul3A_250 = arith.muli %scan3A_200, %mul3A_249 : i32
      %dma_wait3A_251 = arith.constant 0 : i32
      %dma_wait3A_252 = arith.constant 0 : i32
      %dma_wait3A_253 = tpu.memref_slice %arg7[%rem3A_201, %dma_wait3A_251, %dma_wait3A_252] : memref<2x80x128xf32, #tpu.memory_space<vmem>> -> memref<1x80x128xf32, #tpu.memory_space<vmem>>
      %dma_wait3A_254 = tpu.memref_squeeze %dma_wait3A_253 : memref<1x80x128xf32, #tpu.memory_space<vmem>> -> memref<80x128xf32, #tpu.memory_space<vmem>>
      %dma_wait3A_255 = tpu.memref_slice %arg5[%mul3A_250] : memref<10000xi32, #tpu.memory_space<vmem>> -> memref<80xi32, #tpu.memory_space<vmem>>
      %dma_wait3A_256 = arith.constant 0 : i32
      %dma_wait3A_257 = arith.constant 0 : i32
      %dma_wait3A_258 = tpu.memref_slice %arg2[%dma_wait3A_256, %dma_wait3A_257] : memref<10000x128xf32, #tpu.memory_space<hbm>> -> memref<10000x128xf32, #tpu.memory_space<hbm>>
      %dma_wait3A_259 = tpu.memref_slice %arg10[%rem3A_201] : memref<2x!tpu.dma_semaphore, #tpu.memory_space<semaphore_mem>> -> memref<1x!tpu.dma_semaphore, #tpu.memory_space<semaphore_mem>>
      %dma_wait3A_260 = tpu.memref_squeeze %dma_wait3A_259 : memref<1x!tpu.dma_semaphore, #tpu.memory_space<semaphore_mem>> -> memref<!tpu.dma_semaphore, #tpu.memory_space<semaphore_mem>>
      tpu.wait_indirect_dma semaphore(%dma_wait3A_260 : memref<!tpu.dma_semaphore, #tpu.memory_space<semaphore_mem>>) src(%dma_wait3A_258 : memref<10000x128xf32, #tpu.memory_space<hbm>>) dst(%dma_wait3A_254 : memref<80x128xf32, #tpu.memory_space<vmem>>)
      %add3A_261 = arith.constant 320000 : i32
      %add3A_262 = arith.addi %add3A_261, %mul3A_2 : i32
      %mul3A_263 = arith.constant 80 : i32
      %mul3A_264 = arith.muli %scan3A_200, %mul3A_263 : i32
      %add3A_265 = arith.addi %add3A_262, %mul3A_264 : i32
      %dma_wait3A_266 = arith.constant 0 : i32
      %dma_wait3A_267 = tpu.memref_slice %arg6[%rem3A_201, %dma_wait3A_266] : memref<2x80xi32, #tpu.memory_space<vmem>> -> memref<1x80xi32, #tpu.memory_space<vmem>>
      %dma_wait3A_268 = tpu.memref_squeeze %dma_wait3A_267 : memref<1x80xi32, #tpu.memory_space<vmem>> -> memref<80xi32, #tpu.memory_space<vmem>>
      %dma_wait3A_269 = tpu.memref_slice %arg3[%add3A_265] : memref<640000xi32, #tpu.memory_space<hbm>> -> memref<80xi32, #tpu.memory_space<hbm>>
      %dma_wait3A_270 = tpu.memref_slice %arg12[%rem3A_201] : memref<2x!tpu.dma_semaphore, #tpu.memory_space<semaphore_mem>> -> memref<1x!tpu.dma_semaphore, #tpu.memory_space<semaphore_mem>>
      %dma_wait3A_271 = tpu.memref_squeeze %dma_wait3A_270 : memref<1x!tpu.dma_semaphore, #tpu.memory_space<semaphore_mem>> -> memref<!tpu.dma_semaphore, #tpu.memory_space<semaphore_mem>>
      %dma_wait3A_272 = arith.constant 0 : i32
      %dma_wait3A_273 = tpu.memref_slice %arg6[%rem3A_201, %dma_wait3A_272] : memref<2x80xi32, #tpu.memory_space<vmem>> -> memref<1x80xi32, #tpu.memory_space<vmem>>
      %dma_wait3A_274 = tpu.memref_squeeze %dma_wait3A_273 : memref<1x80xi32, #tpu.memory_space<vmem>> -> memref<80xi32, #tpu.memory_space<vmem>>
      %dma_wait3A_275 = tpu.memref_slice %arg3[%add3A_265] : memref<640000xi32, #tpu.memory_space<hbm>> -> memref<80xi32, #tpu.memory_space<hbm>>
      tpu.wait_dma2 semaphore(%dma_wait3A_271 : memref<!tpu.dma_semaphore, #tpu.memory_space<semaphore_mem>>) src(%dma_wait3A_275 : memref<80xi32, #tpu.memory_space<hbm>>) dst(%dma_wait3A_274 : memref<80xi32, #tpu.memory_space<vmem>>)
      %dma_start3A_276 = arith.constant 0 : i32
      %dma_start3A_277 = arith.constant 0 : i32
      %dma_start3A_278 = tpu.memref_slice %arg7[%rem3A_201, %dma_start3A_276, %dma_start3A_277] : memref<2x80x128xf32, #tpu.memory_space<vmem>> -> memref<1x80x128xf32, #tpu.memory_space<vmem>>
      %dma_start3A_279 = tpu.memref_squeeze %dma_start3A_278 : memref<1x80x128xf32, #tpu.memory_space<vmem>> -> memref<80x128xf32, #tpu.memory_space<vmem>>
      %dma_start3A_280 = arith.constant 0 : i32
      %dma_start3A_281 = tpu.memref_slice %arg6[%rem3A_201, %dma_start3A_280] : memref<2x80xi32, #tpu.memory_space<vmem>> -> memref<1x80xi32, #tpu.memory_space<vmem>>
      %dma_start3A_282 = tpu.memref_squeeze %dma_start3A_281 : memref<1x80xi32, #tpu.memory_space<vmem>> -> memref<80xi32, #tpu.memory_space<vmem>>
      %dma_start3A_283 = arith.constant 0 : i32
      %dma_start3A_284 = arith.constant 0 : i32
      %dma_start3A_285 = tpu.memref_slice %arg9[%dma_start3A_283, %dma_start3A_284] : memref<10000x128xf32, #tpu.memory_space<vmem_shared>> -> memref<10000x128xf32, #tpu.memory_space<vmem_shared>>
      %dma_start3A_286 = tpu.memref_slice %arg11[%rem3A_201] : memref<2x!tpu.dma_semaphore, #tpu.memory_space<semaphore_mem>> -> memref<1x!tpu.dma_semaphore, #tpu.memory_space<semaphore_mem>>
      %dma_start3A_287 = tpu.memref_squeeze %dma_start3A_286 : memref<1x!tpu.dma_semaphore, #tpu.memory_space<semaphore_mem>> -> memref<!tpu.dma_semaphore, #tpu.memory_space<semaphore_mem>>
      tpu.enqueue_indirect_dma source(%dma_start3A_279 : memref<80x128xf32, #tpu.memory_space<vmem>>) target(%dma_start3A_285 : memref<10000x128xf32, #tpu.memory_space<vmem_shared>>) offsets(%dma_start3A_282 : memref<80xi32, #tpu.memory_space<vmem>>) semaphore(%dma_start3A_287 : memref<!tpu.dma_semaphore, #tpu.memory_space<semaphore_mem>>) {add = true}
    }
    %scan3A_120 = arith.constant 123 : i32
    %dma_wait3A_121 = arith.constant 1 : i32
    %dma_wait3A_122 = arith.constant 1 : i32
    %dma_wait3A_123 = arith.constant 1 : i32
    %dma_wait3A_124 = arith.constant 0 : i32
    %dma_wait3A_125 = arith.constant 0 : i32
    %dma_wait3A_126 = tpu.memref_slice %arg7[%dma_wait3A_121, %dma_wait3A_124, %dma_wait3A_125] : memref<2x80x128xf32, #tpu.memory_space<vmem>> -> memref<1x80x128xf32, #tpu.memory_space<vmem>>
    %dma_wait3A_127 = tpu.memref_squeeze %dma_wait3A_126 : memref<1x80x128xf32, #tpu.memory_space<vmem>> -> memref<80x128xf32, #tpu.memory_space<vmem>>
    %dma_wait3A_128 = arith.constant 0 : i32
    %dma_wait3A_129 = tpu.memref_slice %arg6[%dma_wait3A_122, %dma_wait3A_128] : memref<2x80xi32, #tpu.memory_space<vmem>> -> memref<1x80xi32, #tpu.memory_space<vmem>>
    %dma_wait3A_130 = tpu.memref_squeeze %dma_wait3A_129 : memref<1x80xi32, #tpu.memory_space<vmem>> -> memref<80xi32, #tpu.memory_space<vmem>>
    %dma_wait3A_131 = arith.constant 0 : i32
    %dma_wait3A_132 = arith.constant 0 : i32
    %dma_wait3A_133 = tpu.memref_slice %arg9[%dma_wait3A_131, %dma_wait3A_132] : memref<10000x128xf32, #tpu.memory_space<vmem_shared>> -> memref<10000x128xf32, #tpu.memory_space<vmem_shared>>
    %dma_wait3A_134 = tpu.memref_slice %arg11[%dma_wait3A_123] : memref<2x!tpu.dma_semaphore, #tpu.memory_space<semaphore_mem>> -> memref<1x!tpu.dma_semaphore, #tpu.memory_space<semaphore_mem>>
    %dma_wait3A_135 = tpu.memref_squeeze %dma_wait3A_134 : memref<1x!tpu.dma_semaphore, #tpu.memory_space<semaphore_mem>> -> memref<!tpu.dma_semaphore, #tpu.memory_space<semaphore_mem>>
    tpu.wait_indirect_dma semaphore(%dma_wait3A_135 : memref<!tpu.dma_semaphore, #tpu.memory_space<semaphore_mem>>) src(%dma_wait3A_127 : memref<80x128xf32, #tpu.memory_space<vmem>>) dst(%dma_wait3A_133 : memref<10000x128xf32, #tpu.memory_space<vmem_shared>>)
    %dma_wait3A_136 = arith.constant 0 : i32
    %dma_wait3A_137 = arith.constant 0 : i32
    %dma_wait3A_138 = arith.constant 0 : i32
    %dma_wait3A_139 = arith.constant 0 : i32
    %dma_wait3A_140 = tpu.memref_slice %arg7[%dma_wait3A_136, %dma_wait3A_138, %dma_wait3A_139] : memref<2x80x128xf32, #tpu.memory_space<vmem>> -> memref<1x80x128xf32, #tpu.memory_space<vmem>>
    %dma_wait3A_141 = tpu.memref_squeeze %dma_wait3A_140 : memref<1x80x128xf32, #tpu.memory_space<vmem>> -> memref<80x128xf32, #tpu.memory_space<vmem>>
    %dma_wait3A_142 = arith.constant 9920 : i32
    %dma_wait3A_143 = tpu.memref_slice %arg5[%dma_wait3A_142] : memref<10000xi32, #tpu.memory_space<vmem>> -> memref<80xi32, #tpu.memory_space<vmem>>
    %dma_wait3A_144 = arith.constant 0 : i32
    %dma_wait3A_145 = arith.constant 0 : i32
    %dma_wait3A_146 = tpu.memref_slice %arg2[%dma_wait3A_144, %dma_wait3A_145] : memref<10000x128xf32, #tpu.memory_space<hbm>> -> memref<10000x128xf32, #tpu.memory_space<hbm>>
    %dma_wait3A_147 = tpu.memref_slice %arg10[%dma_wait3A_137] : memref<2x!tpu.dma_semaphore, #tpu.memory_space<semaphore_mem>> -> memref<1x!tpu.dma_semaphore, #tpu.memory_space<semaphore_mem>>
    %dma_wait3A_148 = tpu.memref_squeeze %dma_wait3A_147 : memref<1x!tpu.dma_semaphore, #tpu.memory_space<semaphore_mem>> -> memref<!tpu.dma_semaphore, #tpu.memory_space<semaphore_mem>>
    tpu.wait_indirect_dma semaphore(%dma_wait3A_148 : memref<!tpu.dma_semaphore, #tpu.memory_space<semaphore_mem>>) src(%dma_wait3A_146 : memref<10000x128xf32, #tpu.memory_space<hbm>>) dst(%dma_wait3A_141 : memref<80x128xf32, #tpu.memory_space<vmem>>)
    %add3A_149 = arith.constant 320000 : i32
    %add3A_150 = arith.addi %add3A_149, %mul3A_2 : i32
    %add3A_151 = arith.constant 9920 : i32
    %add3A_152 = arith.addi %add3A_150, %add3A_151 : i32
    %dma_wait3A_153 = arith.constant 0 : i32
    %dma_wait3A_154 = arith.constant 0 : i32
    %dma_wait3A_155 = arith.constant 0 : i32
    %dma_wait3A_156 = tpu.memref_slice %arg6[%dma_wait3A_153, %dma_wait3A_155] : memref<2x80xi32, #tpu.memory_space<vmem>> -> memref<1x80xi32, #tpu.memory_space<vmem>>
    %dma_wait3A_157 = tpu.memref_squeeze %dma_wait3A_156 : memref<1x80xi32, #tpu.memory_space<vmem>> -> memref<80xi32, #tpu.memory_space<vmem>>
    %dma_wait3A_158 = tpu.memref_slice %arg3[%add3A_152] : memref<640000xi32, #tpu.memory_space<hbm>> -> memref<80xi32, #tpu.memory_space<hbm>>
    %dma_wait3A_159 = tpu.memref_slice %arg12[%dma_wait3A_154] : memref<2x!tpu.dma_semaphore, #tpu.memory_space<semaphore_mem>> -> memref<1x!tpu.dma_semaphore, #tpu.memory_space<semaphore_mem>>
    %dma_wait3A_160 = tpu.memref_squeeze %dma_wait3A_159 : memref<1x!tpu.dma_semaphore, #tpu.memory_space<semaphore_mem>> -> memref<!tpu.dma_semaphore, #tpu.memory_space<semaphore_mem>>
    %dma_wait3A_161 = arith.constant 0 : i32
    %dma_wait3A_162 = tpu.memref_slice %arg6[%dma_wait3A_153, %dma_wait3A_161] : memref<2x80xi32, #tpu.memory_space<vmem>> -> memref<1x80xi32, #tpu.memory_space<vmem>>
    %dma_wait3A_163 = tpu.memref_squeeze %dma_wait3A_162 : memref<1x80xi32, #tpu.memory_space<vmem>> -> memref<80xi32, #tpu.memory_space<vmem>>
    %dma_wait3A_164 = tpu.memref_slice %arg3[%add3A_152] : memref<640000xi32, #tpu.memory_space<hbm>> -> memref<80xi32, #tpu.memory_space<hbm>>
    tpu.wait_dma2 semaphore(%dma_wait3A_160 : memref<!tpu.dma_semaphore, #tpu.memory_space<semaphore_mem>>) src(%dma_wait3A_164 : memref<80xi32, #tpu.memory_space<hbm>>) dst(%dma_wait3A_163 : memref<80xi32, #tpu.memory_space<vmem>>)
    %dma_start3A_165 = arith.constant 0 : i32
    %dma_start3A_166 = arith.constant 0 : i32
    %dma_start3A_167 = arith.constant 0 : i32
    %dma_start3A_168 = arith.constant 0 : i32
    %dma_start3A_169 = arith.constant 0 : i32
    %dma_start3A_170 = tpu.memref_slice %arg7[%dma_start3A_165, %dma_start3A_168, %dma_start3A_169] : memref<2x80x128xf32, #tpu.memory_space<vmem>> -> memref<1x80x128xf32, #tpu.memory_space<vmem>>
    %dma_start3A_171 = tpu.memref_squeeze %dma_start3A_170 : memref<1x80x128xf32, #tpu.memory_space<vmem>> -> memref<80x128xf32, #tpu.memory_space<vmem>>
    %dma_start3A_172 = arith.constant 0 : i32
    %dma_start3A_173 = tpu.memref_slice %arg6[%dma_start3A_166, %dma_start3A_172] : memref<2x80xi32, #tpu.memory_space<vmem>> -> memref<1x80xi32, #tpu.memory_space<vmem>>
    %dma_start3A_174 = tpu.memref_squeeze %dma_start3A_173 : memref<1x80xi32, #tpu.memory_space<vmem>> -> memref<80xi32, #tpu.memory_space<vmem>>
    %dma_start3A_175 = arith.constant 0 : i32
    %dma_start3A_176 = arith.constant 0 : i32
    %dma_start3A_177 = tpu.memref_slice %arg9[%dma_start3A_175, %dma_start3A_176] : memref<10000x128xf32, #tpu.memory_space<vmem_shared>> -> memref<10000x128xf32, #tpu.memory_space<vmem_shared>>
    %dma_start3A_178 = tpu.memref_slice %arg11[%dma_start3A_167] : memref<2x!tpu.dma_semaphore, #tpu.memory_space<semaphore_mem>> -> memref<1x!tpu.dma_semaphore, #tpu.memory_space<semaphore_mem>>
    %dma_start3A_179 = tpu.memref_squeeze %dma_start3A_178 : memref<1x!tpu.dma_semaphore, #tpu.memory_space<semaphore_mem>> -> memref<!tpu.dma_semaphore, #tpu.memory_space<semaphore_mem>>
    tpu.enqueue_indirect_dma source(%dma_start3A_171 : memref<80x128xf32, #tpu.memory_space<vmem>>) target(%dma_start3A_177 : memref<10000x128xf32, #tpu.memory_space<vmem_shared>>) offsets(%dma_start3A_174 : memref<80xi32, #tpu.memory_space<vmem>>) semaphore(%dma_start3A_179 : memref<!tpu.dma_semaphore, #tpu.memory_space<semaphore_mem>>) {add = true}
    %dma_wait3A_180 = arith.constant 0 : i32
    %dma_wait3A_181 = arith.constant 0 : i32
    %dma_wait3A_182 = arith.constant 0 : i32
    %dma_wait3A_183 = arith.constant 0 : i32
    %dma_wait3A_184 = arith.constant 0 : i32
    %dma_wait3A_185 = tpu.memref_slice %arg7[%dma_wait3A_180, %dma_wait3A_183, %dma_wait3A_184] : memref<2x80x128xf32, #tpu.memory_space<vmem>> -> memref<1x80x128xf32, #tpu.memory_space<vmem>>
    %dma_wait3A_186 = tpu.memref_squeeze %dma_wait3A_185 : memref<1x80x128xf32, #tpu.memory_space<vmem>> -> memref<80x128xf32, #tpu.memory_space<vmem>>
    %dma_wait3A_187 = arith.constant 0 : i32
    %dma_wait3A_188 = tpu.memref_slice %arg6[%dma_wait3A_181, %dma_wait3A_187] : memref<2x80xi32, #tpu.memory_space<vmem>> -> memref<1x80xi32, #tpu.memory_space<vmem>>
    %dma_wait3A_189 = tpu.memref_squeeze %dma_wait3A_188 : memref<1x80xi32, #tpu.memory_space<vmem>> -> memref<80xi32, #tpu.memory_space<vmem>>
    %dma_wait3A_190 = arith.constant 0 : i32
    %dma_wait3A_191 = arith.constant 0 : i32
    %dma_wait3A_192 = tpu.memref_slice %arg9[%dma_wait3A_190, %dma_wait3A_191] : memref<10000x128xf32, #tpu.memory_space<vmem_shared>> -> memref<10000x128xf32, #tpu.memory_space<vmem_shared>>
    %dma_wait3A_193 = tpu.memref_slice %arg11[%dma_wait3A_182] : memref<2x!tpu.dma_semaphore, #tpu.memory_space<semaphore_mem>> -> memref<1x!tpu.dma_semaphore, #tpu.memory_space<semaphore_mem>>
    %dma_wait3A_194 = tpu.memref_squeeze %dma_wait3A_193 : memref<1x!tpu.dma_semaphore, #tpu.memory_space<semaphore_mem>> -> memref<!tpu.dma_semaphore, #tpu.memory_space<semaphore_mem>>
    tpu.wait_indirect_dma semaphore(%dma_wait3A_194 : memref<!tpu.dma_semaphore, #tpu.memory_space<semaphore_mem>>) src(%dma_wait3A_186 : memref<80x128xf32, #tpu.memory_space<vmem>>) dst(%dma_wait3A_192 : memref<10000x128xf32, #tpu.memory_space<vmem_shared>>)
    %barrier3A_195 = arith.constant 0 : index
    tpu.barrier barrier_id(%barrier3A_195)
    %mul3A_196 = arith.constant 625 : i32
    %mul3A_197 = arith.muli %arg1, %mul3A_196 : i32
    %mul3A_198 = arith.constant 625 : i32
    %mul3A_199 = arith.muli %arg1, %mul3A_198 : i32
    "tpu.region"() ({
      %run_scoped3A = tpu.sem_alloc : memref<!tpu.dma_semaphore, #tpu.memory_space<semaphore_mem>>
      %dma_start3A_200 = arith.constant 0 : i32
      %dma_start3A_201 = tpu.memref_slice %arg4[%arg0, %mul3A_199, %dma_start3A_200] : memref<2x10000x128xf32, #tpu.memory_space<hbm>> -> memref<1x625x128xf32, #tpu.memory_space<hbm>>
      %dma_start3A_202 = tpu.memref_squeeze %dma_start3A_201 : memref<1x625x128xf32, #tpu.memory_space<hbm>> -> memref<625x128xf32, #tpu.memory_space<hbm>>
      %dma_start3A_203 = arith.constant 0 : i32
      %dma_start3A_204 = tpu.memref_slice %arg9[%mul3A_197, %dma_start3A_203] : memref<10000x128xf32, #tpu.memory_space<vmem_shared>> -> memref<625x128xf32, #tpu.memory_space<vmem_shared>>
      tpu.enqueue_dma source(%dma_start3A_204 : memref<625x128xf32, #tpu.memory_space<vmem_shared>>) target(%dma_start3A_202 : memref<625x128xf32, #tpu.memory_space<hbm>>) target_semaphore(%run_scoped3A : memref<!tpu.dma_semaphore, #tpu.memory_space<semaphore_mem>>)
      %dma_wait3A_205 = arith.constant 0 : i32
      %dma_wait3A_206 = tpu.memref_slice %arg4[%arg0, %mul3A_199, %dma_wait3A_205] : memref<2x10000x128xf32, #tpu.memory_space<hbm>> -> memref<1x625x128xf32, #tpu.memory_space<hbm>>
      %dma_wait3A_207 = tpu.memref_squeeze %dma_wait3A_206 : memref<1x625x128xf32, #tpu.memory_space<hbm>> -> memref<625x128xf32, #tpu.memory_space<hbm>>
      %dma_wait3A_208 = arith.constant 0 : i32
      %dma_wait3A_209 = tpu.memref_slice %arg9[%mul3A_197, %dma_wait3A_208] : memref<10000x128xf32, #tpu.memory_space<vmem_shared>> -> memref<625x128xf32, #tpu.memory_space<vmem_shared>>
      tpu.wait_dma2 semaphore(%run_scoped3A : memref<!tpu.dma_semaphore, #tpu.memory_space<semaphore_mem>>) src(%dma_wait3A_209 : memref<625x128xf32, #tpu.memory_space<vmem_shared>>) dst(%dma_wait3A_207 : memref<625x128xf32, #tpu.memory_space<hbm>>)
      tpu.yield
    }) : () -> ()
    return
  }
}

module attributes {stable_mosaic.version = 14 : i64} {
  func.func @sage_tc1(%arg0: i32, %arg1: memref<2x2000x128xf32, #tpu.memory_space<vmem>>, %arg2: memref<2x2000x16xf32, #tpu.memory_space<vmem>>, %arg3: memref<2000x128xf32, #tpu.memory_space<vmem>>, %arg4: memref<128x128xf32, #tpu.memory_space<vmem>>, %arg5: memref<1x128xf32, #tpu.memory_space<vmem>>, %arg6: memref<128x128xf32, #tpu.memory_space<vmem>>, %arg7: memref<2000x128xf32, #tpu.memory_space<vmem>>, %arg8: memref<2000x1xf32, #tpu.memory_space<vmem>>) attributes {dimension_semantics = [#tpu.dimension_semantics<arbitrary>], iteration_bounds = array<i64: 5>, scalar_prefetch = 0 : i64, scratch_operands = 0 : i64, tpu.core_type = #tpu.core_type<tc>, window_params = [{transform_indices = @transform_0, window_bounds = array<i64: 2, 2000, 128>}, {transform_indices = @transform_1, window_bounds = array<i64: 2, 2000, 16>}, {transform_indices = @transform_2, window_bounds = array<i64: 2000, 128>}, {pipeline_mode = #tpu.pipeline_mode<synchronous>, transform_indices = @transform_3, window_bounds = array<i64: 128, 128>}, {pipeline_mode = #tpu.pipeline_mode<synchronous>, transform_indices = @transform_4, window_bounds = array<i64: 1, 128>}, {pipeline_mode = #tpu.pipeline_mode<synchronous>, transform_indices = @transform_5, window_bounds = array<i64: 128, 128>}, {transform_indices = @transform_6, window_bounds = array<i64: 2000, 128>}, {transform_indices = @transform_7, window_bounds = array<i64: 2000, 1>}]} {
    %get3A = arith.constant 0 : index
    %get3A_0 = arith.constant 0 : index
    %get3A_1 = arith.constant 0 : index
    %get3A_2 = vector.load %arg1[%get3A, %get3A_0, %get3A_1] : memref<2x2000x128xf32, #tpu.memory_space<vmem>>, vector<1x2000x128xf32>
    %get3A_3 = vector.shape_cast %get3A_2 : vector<1x2000x128xf32> to vector<2000x128xf32>
    %get3A_4 = arith.constant 1 : index
    %get3A_5 = arith.constant 0 : index
    %get3A_6 = arith.constant 0 : index
    %get3A_7 = vector.load %arg1[%get3A_4, %get3A_5, %get3A_6] : memref<2x2000x128xf32, #tpu.memory_space<vmem>>, vector<1x2000x128xf32>
    %get3A_8 = vector.shape_cast %get3A_7 : vector<1x2000x128xf32> to vector<2000x128xf32>
    %add3A = arith.addf %get3A_3, %get3A_8 : vector<2000x128xf32>
    %get3A_9 = arith.constant 0 : index
    %get3A_10 = arith.constant 0 : index
    %get3A_11 = arith.constant 0 : index
    %get3A_12 = vector.load %arg2[%get3A_9, %get3A_10, %get3A_11] : memref<2x2000x16xf32, #tpu.memory_space<vmem>>, vector<1x2000x16xf32>
    %get3A_13 = vector.shape_cast %get3A_12 : vector<1x2000x16xf32> to vector<2000x16xf32>
    %slice3A = vector.extract_strided_slice %get3A_13 {offsets = [0, 0], sizes = [2000, 1], strides = [1, 1]} : vector<2000x16xf32> to vector<2000x1xf32>
    %get3A_14 = arith.constant 1 : index
    %get3A_15 = arith.constant 0 : index
    %get3A_16 = arith.constant 0 : index
    %get3A_17 = vector.load %arg2[%get3A_14, %get3A_15, %get3A_16] : memref<2x2000x16xf32, #tpu.memory_space<vmem>>, vector<1x2000x16xf32>
    %get3A_18 = vector.shape_cast %get3A_17 : vector<1x2000x16xf32> to vector<2000x16xf32>
    %slice3A_19 = vector.extract_strided_slice %get3A_18 {offsets = [0, 0], sizes = [2000, 1], strides = [1, 1]} : vector<2000x16xf32> to vector<2000x1xf32>
    %add3A_20 = arith.addf %slice3A, %slice3A_19 : vector<2000x1xf32>
    %max3A = arith.constant 1.000000e+00 : f32
    %max3A_21 = vector.broadcast %max3A : f32 to vector<2000x1xf32>
    %max3A_22 = arith.maximumf %add3A_20, %max3A_21 : vector<2000x1xf32>
    %div3A = arith.constant 1.000000e+00 : f32
    %div3A_23 = vector.broadcast %div3A : f32 to vector<2000x1xf32>
    %div3A_24 = arith.divf %div3A_23, %max3A_22 : vector<2000x1xf32>
    %mul3A = vector.broadcast %div3A_24 : vector<2000x1xf32> to vector<2000x128xf32>
    %mul3A_25 = arith.mulf %add3A, %mul3A : vector<2000x128xf32>
    %get3A_26 = arith.constant 0 : index
    %get3A_27 = arith.constant 0 : index
    %get3A_28 = vector.load %arg4[%get3A_26, %get3A_27] : memref<128x128xf32, #tpu.memory_space<vmem>>, vector<128x128xf32>
    %dot_general3A = arith.constant dense<0.000000e+00> : vector<2000x128xf32>
    %dot_general3A_29 = tpu.matmul %mul3A_25, %get3A_28, %dot_general3A {dimension_numbers = #tpu.dot_dimension_numbers<[1], [0], [0], [1], [0, 0, 1, 1], [], []>, transpose_lhs_hint = false} : vector<2000x128xf32>, vector<128x128xf32>, vector<2000x128xf32> -> vector<2000x128xf32>
    %get3A_30 = arith.constant 0 : index
    %get3A_31 = arith.constant 0 : index
    %get3A_32 = vector.load %arg5[%get3A_30, %get3A_31] : memref<1x128xf32, #tpu.memory_space<vmem>>, vector<1x128xf32>
    %add3A_33 = vector.broadcast %get3A_32 : vector<1x128xf32> to vector<2000x128xf32>
    %add3A_34 = arith.addf %dot_general3A_29, %add3A_33 : vector<2000x128xf32>
    %get3A_35 = arith.constant 0 : index
    %get3A_36 = arith.constant 0 : index
    %get3A_37 = vector.load %arg3[%get3A_35, %get3A_36] : memref<2000x128xf32, #tpu.memory_space<vmem>>, vector<2000x128xf32>
    %get3A_38 = arith.constant 0 : index
    %get3A_39 = arith.constant 0 : index
    %get3A_40 = vector.load %arg6[%get3A_38, %get3A_39] : memref<128x128xf32, #tpu.memory_space<vmem>>, vector<128x128xf32>
    %dot_general3A_41 = arith.constant dense<0.000000e+00> : vector<2000x128xf32>
    %dot_general3A_42 = tpu.matmul %get3A_37, %get3A_40, %dot_general3A_41 {dimension_numbers = #tpu.dot_dimension_numbers<[1], [0], [0], [1], [0, 0, 1, 1], [], []>, transpose_lhs_hint = false} : vector<2000x128xf32>, vector<128x128xf32>, vector<2000x128xf32> -> vector<2000x128xf32>
    %add3A_43 = arith.addf %add3A_34, %dot_general3A_42 : vector<2000x128xf32>
    %max3A_44 = arith.constant 0.000000e+00 : f32
    %max3A_45 = vector.broadcast %max3A_44 : f32 to vector<2000x128xf32>
    %max3A_46 = arith.maximumf %add3A_43, %max3A_45 : vector<2000x128xf32>
    %swap3A = arith.constant 0 : index
    %swap3A_47 = arith.constant 0 : index
    %swap3A_48 = vector.load %arg7[%swap3A, %swap3A_47] : memref<2000x128xf32, #tpu.memory_space<vmem>>, vector<2000x128xf32>
    tpu.vector_store %arg7[%swap3A, %swap3A_47], %max3A_46 {strides = array<i32>} : memref<2000x128xf32, #tpu.memory_space<vmem>>, vector<2000x128xf32>,
    %swap3A_49 = arith.constant 0 : index
    %swap3A_50 = arith.constant 0 : index
    %swap3A_51 = vector.load %arg8[%swap3A_49, %swap3A_50] : memref<2000x1xf32, #tpu.memory_space<vmem>>, vector<2000x1xf32>
    tpu.vector_store %arg8[%swap3A_49, %swap3A_50], %div3A_24 {strides = array<i32>} : memref<2000x1xf32, #tpu.memory_space<vmem>>, vector<2000x1xf32>,
    return
  }
  func.func @transform_0(%arg0: i32) -> (i32, i32, i32) {
    %c0_i32 = arith.constant 0 : i32
    %c0_i32_0 = arith.constant 0 : i32
    %c0_i32_1 = arith.constant 0 : i32
    return %c0_i32, %arg0, %c0_i32_0 : i32, i32, i32
  }
  func.func @transform_1(%arg0: i32) -> (i32, i32, i32) {
    %c0_i32 = arith.constant 0 : i32
    %c0_i32_0 = arith.constant 0 : i32
    %c0_i32_1 = arith.constant 0 : i32
    return %c0_i32, %arg0, %c0_i32_0 : i32, i32, i32
  }
  func.func @transform_2(%arg0: i32) -> (i32, i32) {
    %c0_i32 = arith.constant 0 : i32
    %c0_i32_0 = arith.constant 0 : i32
    return %arg0, %c0_i32 : i32, i32
  }
  func.func @transform_3(%arg0: i32) -> (i32, i32) {
    %c0_i32 = arith.constant 0 : i32
    %c0_i32_0 = arith.constant 0 : i32
    %c0_i32_1 = arith.constant 0 : i32
    return %c0_i32, %c0_i32_0 : i32, i32
  }
  func.func @transform_4(%arg0: i32) -> (i32, i32) {
    %c0_i32 = arith.constant 0 : i32
    %c0_i32_0 = arith.constant 0 : i32
    %c0_i32_1 = arith.constant 0 : i32
    return %c0_i32, %c0_i32_0 : i32, i32
  }
  func.func @transform_5(%arg0: i32) -> (i32, i32) {
    %c0_i32 = arith.constant 0 : i32
    %c0_i32_0 = arith.constant 0 : i32
    %c0_i32_1 = arith.constant 0 : i32
    return %c0_i32, %c0_i32_0 : i32, i32
  }
  func.func @transform_6(%arg0: i32) -> (i32, i32) {
    %c0_i32 = arith.constant 0 : i32
    %c0_i32_0 = arith.constant 0 : i32
    return %arg0, %c0_i32 : i32, i32
  }
  func.func @transform_7(%arg0: i32) -> (i32, i32) {
    %c0_i32 = arith.constant 0 : i32
    %c0_i32_0 = arith.constant 0 : i32
    return %arg0, %c0_i32 : i32, i32
  }
}

module attributes {stable_mosaic.version = 14 : i64} {
  func.func @sage_tc2(%arg0: i32, %arg1: memref<2x2000x128xf32, #tpu.memory_space<vmem>>, %arg2: memref<2000x1xf32, #tpu.memory_space<vmem>>, %arg3: memref<2000x128xf32, #tpu.memory_space<vmem>>, %arg4: memref<128x128xf32, #tpu.memory_space<vmem>>, %arg5: memref<1x128xf32, #tpu.memory_space<vmem>>, %arg6: memref<128x128xf32, #tpu.memory_space<vmem>>, %arg7: memref<128x128xf32, #tpu.memory_space<vmem>>, %arg8: memref<1x128xf32, #tpu.memory_space<vmem>>, %arg9: memref<128x2xf32, #tpu.memory_space<vmem>>, %arg10: memref<1x2xf32, #tpu.memory_space<vmem>>, %arg11: memref<2000x128xf32, #tpu.memory_space<vmem>>, %arg12: memref<2000x2xf32, #tpu.memory_space<vmem>>) attributes {dimension_semantics = [#tpu.dimension_semantics<arbitrary>], iteration_bounds = array<i64: 5>, scalar_prefetch = 0 : i64, scratch_operands = 0 : i64, tpu.core_type = #tpu.core_type<tc>, window_params = [{transform_indices = @transform_0, window_bounds = array<i64: 2, 2000, 128>}, {transform_indices = @transform_1, window_bounds = array<i64: 2000, 1>}, {transform_indices = @transform_2, window_bounds = array<i64: 2000, 128>}, {pipeline_mode = #tpu.pipeline_mode<synchronous>, transform_indices = @transform_3, window_bounds = array<i64: 128, 128>}, {pipeline_mode = #tpu.pipeline_mode<synchronous>, transform_indices = @transform_4, window_bounds = array<i64: 1, 128>}, {pipeline_mode = #tpu.pipeline_mode<synchronous>, transform_indices = @transform_5, window_bounds = array<i64: 128, 128>}, {pipeline_mode = #tpu.pipeline_mode<synchronous>, transform_indices = @transform_6, window_bounds = array<i64: 128, 128>}, {pipeline_mode = #tpu.pipeline_mode<synchronous>, transform_indices = @transform_7, window_bounds = array<i64: 1, 128>}, {pipeline_mode = #tpu.pipeline_mode<synchronous>, transform_indices = @transform_8, window_bounds = array<i64: 128, 2>}, {pipeline_mode = #tpu.pipeline_mode<synchronous>, transform_indices = @transform_9, window_bounds = array<i64: 1, 2>}, {transform_indices = @transform_10, window_bounds = array<i64: 2000, 128>}, {transform_indices = @transform_11, window_bounds = array<i64: 2000, 2>}]} {
    %get3A = arith.constant 0 : index
    %get3A_0 = arith.constant 0 : index
    %get3A_1 = arith.constant 0 : index
    %get3A_2 = vector.load %arg1[%get3A, %get3A_0, %get3A_1] : memref<2x2000x128xf32, #tpu.memory_space<vmem>>, vector<1x2000x128xf32>
    %get3A_3 = vector.shape_cast %get3A_2 : vector<1x2000x128xf32> to vector<2000x128xf32>
    %get3A_4 = arith.constant 1 : index
    %get3A_5 = arith.constant 0 : index
    %get3A_6 = arith.constant 0 : index
    %get3A_7 = vector.load %arg1[%get3A_4, %get3A_5, %get3A_6] : memref<2x2000x128xf32, #tpu.memory_space<vmem>>, vector<1x2000x128xf32>
    %get3A_8 = vector.shape_cast %get3A_7 : vector<1x2000x128xf32> to vector<2000x128xf32>
    %add3A = arith.addf %get3A_3, %get3A_8 : vector<2000x128xf32>
    %get3A_9 = arith.constant 0 : index
    %get3A_10 = arith.constant 0 : index
    %get3A_11 = vector.load %arg2[%get3A_9, %get3A_10] : memref<2000x1xf32, #tpu.memory_space<vmem>>, vector<2000x1xf32>
    %mul3A = vector.broadcast %get3A_11 : vector<2000x1xf32> to vector<2000x128xf32>
    %mul3A_12 = arith.mulf %add3A, %mul3A : vector<2000x128xf32>
    %get3A_13 = arith.constant 0 : index
    %get3A_14 = arith.constant 0 : index
    %get3A_15 = vector.load %arg4[%get3A_13, %get3A_14] : memref<128x128xf32, #tpu.memory_space<vmem>>, vector<128x128xf32>
    %dot_general3A = arith.constant dense<0.000000e+00> : vector<2000x128xf32>
    %dot_general3A_16 = tpu.matmul %mul3A_12, %get3A_15, %dot_general3A {dimension_numbers = #tpu.dot_dimension_numbers<[1], [0], [0], [1], [0, 0, 1, 1], [], []>, transpose_lhs_hint = false} : vector<2000x128xf32>, vector<128x128xf32>, vector<2000x128xf32> -> vector<2000x128xf32>
    %get3A_17 = arith.constant 0 : index
    %get3A_18 = arith.constant 0 : index
    %get3A_19 = vector.load %arg5[%get3A_17, %get3A_18] : memref<1x128xf32, #tpu.memory_space<vmem>>, vector<1x128xf32>
    %add3A_20 = vector.broadcast %get3A_19 : vector<1x128xf32> to vector<2000x128xf32>
    %add3A_21 = arith.addf %dot_general3A_16, %add3A_20 : vector<2000x128xf32>
    %get3A_22 = arith.constant 0 : index
    %get3A_23 = arith.constant 0 : index
    %get3A_24 = vector.load %arg3[%get3A_22, %get3A_23] : memref<2000x128xf32, #tpu.memory_space<vmem>>, vector<2000x128xf32>
    %get3A_25 = arith.constant 0 : index
    %get3A_26 = arith.constant 0 : index
    %get3A_27 = vector.load %arg6[%get3A_25, %get3A_26] : memref<128x128xf32, #tpu.memory_space<vmem>>, vector<128x128xf32>
    %dot_general3A_28 = arith.constant dense<0.000000e+00> : vector<2000x128xf32>
    %dot_general3A_29 = tpu.matmul %get3A_24, %get3A_27, %dot_general3A_28 {dimension_numbers = #tpu.dot_dimension_numbers<[1], [0], [0], [1], [0, 0, 1, 1], [], []>, transpose_lhs_hint = false} : vector<2000x128xf32>, vector<128x128xf32>, vector<2000x128xf32> -> vector<2000x128xf32>
    %add3A_30 = arith.addf %add3A_21, %dot_general3A_29 : vector<2000x128xf32>
    %get3A_31 = arith.constant 0 : index
    %get3A_32 = arith.constant 0 : index
    %get3A_33 = vector.load %arg7[%get3A_31, %get3A_32] : memref<128x128xf32, #tpu.memory_space<vmem>>, vector<128x128xf32>
    %dot_general3A_34 = arith.constant dense<0.000000e+00> : vector<2000x128xf32>
    %dot_general3A_35 = tpu.matmul %add3A_30, %get3A_33, %dot_general3A_34 {dimension_numbers = #tpu.dot_dimension_numbers<[1], [0], [0], [1], [0, 0, 1, 1], [], []>, transpose_lhs_hint = false} : vector<2000x128xf32>, vector<128x128xf32>, vector<2000x128xf32> -> vector<2000x128xf32>
    %get3A_36 = arith.constant 0 : index
    %get3A_37 = arith.constant 0 : index
    %get3A_38 = vector.load %arg8[%get3A_36, %get3A_37] : memref<1x128xf32, #tpu.memory_space<vmem>>, vector<1x128xf32>
    %add3A_39 = vector.broadcast %get3A_38 : vector<1x128xf32> to vector<2000x128xf32>
    %add3A_40 = arith.addf %dot_general3A_35, %add3A_39 : vector<2000x128xf32>
    %max3A = arith.constant 0.000000e+00 : f32
    %max3A_41 = vector.broadcast %max3A : f32 to vector<2000x128xf32>
    %max3A_42 = arith.maximumf %add3A_40, %max3A_41 : vector<2000x128xf32>
    %get3A_43 = arith.constant 0 : index
    %get3A_44 = arith.constant 0 : index
    %get3A_45 = vector.load %arg9[%get3A_43, %get3A_44] : memref<128x2xf32, #tpu.memory_space<vmem>>, vector<128x2xf32>
    %dot_general3A_46 = arith.constant dense<0.000000e+00> : vector<2000x2xf32>
    %dot_general3A_47 = tpu.matmul %max3A_42, %get3A_45, %dot_general3A_46 {dimension_numbers = #tpu.dot_dimension_numbers<[1], [0], [0], [1], [0, 0, 1, 1], [], []>, transpose_lhs_hint = false} : vector<2000x128xf32>, vector<128x2xf32>, vector<2000x2xf32> -> vector<2000x2xf32>
    %get3A_48 = arith.constant 0 : index
    %get3A_49 = arith.constant 0 : index
    %get3A_50 = vector.load %arg10[%get3A_48, %get3A_49] : memref<1x2xf32, #tpu.memory_space<vmem>>, vector<1x2xf32>
    %add3A_51 = vector.broadcast %get3A_50 : vector<1x2xf32> to vector<2000x2xf32>
    %add3A_52 = arith.addf %dot_general3A_47, %add3A_51 : vector<2000x2xf32>
    %swap3A = arith.constant 0 : index
    %swap3A_53 = arith.constant 0 : index
    %swap3A_54 = vector.load %arg12[%swap3A, %swap3A_53] : memref<2000x2xf32, #tpu.memory_space<vmem>>, vector<2000x2xf32>
    tpu.vector_store %arg12[%swap3A, %swap3A_53], %add3A_52 {strides = array<i32>} : memref<2000x2xf32, #tpu.memory_space<vmem>>, vector<2000x2xf32>,
    %swap3A_55 = arith.constant 0 : index
    %swap3A_56 = arith.constant 0 : index
    %swap3A_57 = vector.load %arg11[%swap3A_55, %swap3A_56] : memref<2000x128xf32, #tpu.memory_space<vmem>>, vector<2000x128xf32>
    tpu.vector_store %arg11[%swap3A_55, %swap3A_56], %add3A_30 {strides = array<i32>} : memref<2000x128xf32, #tpu.memory_space<vmem>>, vector<2000x128xf32>,
    return
  }
  func.func @transform_0(%arg0: i32) -> (i32, i32, i32) {
    %c0_i32 = arith.constant 0 : i32
    %c0_i32_0 = arith.constant 0 : i32
    %c0_i32_1 = arith.constant 0 : i32
    return %c0_i32, %arg0, %c0_i32_0 : i32, i32, i32
  }
  func.func @transform_1(%arg0: i32) -> (i32, i32) {
    %c0_i32 = arith.constant 0 : i32
    %c0_i32_0 = arith.constant 0 : i32
    return %arg0, %c0_i32 : i32, i32
  }
  func.func @transform_2(%arg0: i32) -> (i32, i32) {
    %c0_i32 = arith.constant 0 : i32
    %c0_i32_0 = arith.constant 0 : i32
    return %arg0, %c0_i32 : i32, i32
  }
  func.func @transform_3(%arg0: i32) -> (i32, i32) {
    %c0_i32 = arith.constant 0 : i32
    %c0_i32_0 = arith.constant 0 : i32
    %c0_i32_1 = arith.constant 0 : i32
    return %c0_i32, %c0_i32_0 : i32, i32
  }
  func.func @transform_4(%arg0: i32) -> (i32, i32) {
    %c0_i32 = arith.constant 0 : i32
    %c0_i32_0 = arith.constant 0 : i32
    %c0_i32_1 = arith.constant 0 : i32
    return %c0_i32, %c0_i32_0 : i32, i32
  }
  func.func @transform_5(%arg0: i32) -> (i32, i32) {
    %c0_i32 = arith.constant 0 : i32
    %c0_i32_0 = arith.constant 0 : i32
    %c0_i32_1 = arith.constant 0 : i32
    return %c0_i32, %c0_i32_0 : i32, i32
  }
  func.func @transform_6(%arg0: i32) -> (i32, i32) {
    %c0_i32 = arith.constant 0 : i32
    %c0_i32_0 = arith.constant 0 : i32
    %c0_i32_1 = arith.constant 0 : i32
    return %c0_i32, %c0_i32_0 : i32, i32
  }
  func.func @transform_7(%arg0: i32) -> (i32, i32) {
    %c0_i32 = arith.constant 0 : i32
    %c0_i32_0 = arith.constant 0 : i32
    %c0_i32_1 = arith.constant 0 : i32
    return %c0_i32, %c0_i32_0 : i32, i32
  }
  func.func @transform_8(%arg0: i32) -> (i32, i32) {
    %c0_i32 = arith.constant 0 : i32
    %c0_i32_0 = arith.constant 0 : i32
    %c0_i32_1 = arith.constant 0 : i32
    return %c0_i32, %c0_i32_0 : i32, i32
  }
  func.func @transform_9(%arg0: i32) -> (i32, i32) {
    %c0_i32 = arith.constant 0 : i32
    %c0_i32_0 = arith.constant 0 : i32
    %c0_i32_1 = arith.constant 0 : i32
    return %c0_i32, %c0_i32_0 : i32, i32
  }
  func.func @transform_10(%arg0: i32) -> (i32, i32) {
    %c0_i32 = arith.constant 0 : i32
    %c0_i32_0 = arith.constant 0 : i32
    return %arg0, %c0_i32 : i32, i32
  }
  func.func @transform_11(%arg0: i32) -> (i32, i32) {
    %c0_i32 = arith.constant 0 : i32
    %c0_i32_0 = arith.constant 0 : i32
    return %arg0, %c0_i32 : i32, i32
  }
}

</mosaic_0001>

<sc_bundles>
// kernel: sage_sc_agg_cnt.3.cloned.1.call-start
scs
__scs_entry_jumppad:
0x0: {  	(pc) =	sbr.rel $0x88, $3  }
0x1: {  	(tag) =	ssettag $0x0;
	lr =	simm.s32 $0x1  }
0x2: {  	[smem:$0x3F95] =	sst lr;
	_ =	strace $0xD0000000  }
0x3: {  	_ = 	snop  }
0x4: {  	_ = 	snop  }
0x5: {  	_ = 	snop  }
0x6: {  	_ = 	snop  }
0x7: {  	_ = 	snop  }
__scs_overlays_trampoline_lowered:
0x8: {  	[smem:$0x3FA4] =	sst s0  }
0x9: {  	[smem:$0x3FA5] =	sst s1  }
0xa: {  	[smem:$0x3FA6] =	sst s2  }
0xb: {  	[smem:$0x3FA7] =	sst s3  }
0xc: {  	[smem:$0x3FA8] =	sst s4  }
0xd: {  	[smem:$0x3FA9] =	sst s5  }
0xe: {  	[smem:$0x3FAA] =	sst s6  }
0xf: {  	[smem:$0x3FAB] =	sst s7  }
0x10: {  	[smem:$0x3FAC] =	sst s8  }
0x11: {  	[smem:$0x3FAD] =	sst s9;
	s0 =	simm.s32 @!p0 $0x0  }
0x12: {  	s1 =	sld [smem:$0x3F93];
	s0 =	simm.s32 @p0 $0x1  }
0x13: {  	[smem:$0x3FAE] =	sst s0;
	s0 =	simm.s32 @!p1 $0x0  }
0x14: {  	s2 =	sld [smem:$0x3F92];
	s0 =	simm.s32 @p1 $0x1  }
0x15: {  	[smem:$0x3FAF] =	sst s0;
	s0 =	simm.s32 @!p2 $0x0  }
0x16: {  	s3 =	sld [smem:$0x3FDB];
	s0 =	simm.s32 @p2 $0x1  }
0x17: {  	s4 =	simm.s32 $0x1BF5;
	[smem:$0x3FB1] =	sst s0  }
0x18: {  	s0 =	sld [smem:$0x3F94];
	_ =	swait.ge [sflag:s4], $0x0  }
0x19: {  	s7 =	sld [smem:$0x3F95]  }
0x1a: {  	s8 =	sadd.s32 $0xFFFFE003, lr  }
0x1b: {  	s9 =	sadd.s32 $0xFFFFFEF7, lr;
	s5 =	simm.s32 $0xFFFFFFFF;
	p2 =	slt.u32 s8, $0xFFFFF086  }
0x1c: {  	p1 =	slt.u32 s9, $0xF7A;
	s5 =	simm.s32 @!p2 $0x0  }
0x1d: {  	s5 =	simm.s32 @p1 $0x1;
	p0 =	seq.s32 s7, s2  }
0x1e: {  	s7 =	smul.u32 @!p0 $0xF7A, s2;
	p2 =	seq.s32 @!p0 s5, $0x0  }
0x1f: {  	s9 =	smul.u32 $0xF7A, s1;
	s8 =	simm.s32 @!p0 $0x1BF5;
	p2 =	por !p2, p0  }
0x20: {  	[sflag:s8] =	ssyncset.s32 @!p0 $0xFFFFF086;
	s6 =	sadd.s32 @!p0 s3, s7;
	s7 =	simm.s32 @!p0 $0x108  }
0x21: {  	s3 =	sadd.s32 s3, s9;
	s6 =	sadd.s32 @!p0 $0x88, s6;
	s7 =	simm.s32 @p2 $0x1082  }
0x22: {  	[simem:s7], [sflag:s8] =	dma.local @!p0 [hbm:s6], $0xF7A  }
0x23: {  	s9 =	sor.u32 $0xD0000000, s2;
	s6 =	simm.s32 $0x108;
	_ =	swait.ge @!p0 [sflag:s8], $0x0  }
0x24: {  	s3 =	sadd.s32 $0x88, s3;
	s6 =	simm.s32 @!p1 $0x1082;
	[sflag:s4] =	ssyncset.s32 $0xFFFFF086  }
0x25: {  	[simem:s6], [sflag:s4] =	dma.local [hbm:s3], $0xF7A  }
0x26: {  	[smem:$0x3F95] =	sst s1;
	(tag) =	ssettag s2;
	_ =	strace s9  }
0x27: {  	s1 =	sld [smem:$0x3FA5]  }
0x28: {  	s2 =	sld [smem:$0x3FA6]  }
0x29: {  	s4 =	sld [smem:$0x3FA8]  }
0x2a: {  	p0 =	seq.s32 s5, $0x0;
	s5 =	sld [smem:$0x3FA9]  }
0x2b: {  	s6 =	sld [smem:$0x3FAA]  }
0x2c: {  	s7 =	sld [smem:$0x3FAB]  }
0x2d: {  	s3 =	simm.s32 $0x108;
	s8 =	sld [smem:$0x3FAC]  }
0x2e: {  	s3 =	simm.s32 @!p0 $0x1082;
	s9 =	sld [smem:$0x3FAD]  }
0x2f: {  	lr =	sadd.s32 s0, s3;
	s0 =	sld [smem:$0x3FA4]  }
0x30: {  	s3 =	sld [smem:$0x3FA7]  }
0x31: {  	[smem:$0x3FB0] =	sst s10  }
0x32: {  	s10 =	sld [smem:$0x3FAE];
	_ =	sdelay $0x3  }
0x33: {  	p0 =	seq.s32 s10, $0x1;
	s10 =	sld [smem:$0x3FB0];
	_ =	sdelay $0x3  }
0x34: {  	[smem:$0x3FB0] =	sst s10  }
0x35: {  	s10 =	sld [smem:$0x3FAF];
	_ =	sdelay $0x3  }
0x36: {  	p1 =	seq.s32 s10, $0x1;
	s10 =	sld [smem:$0x3FB0];
	_ =	sdelay $0x3  }
0x37: {  	[smem:$0x3FB0] =	sst s10  }
0x38: {  	s10 =	sld [smem:$0x3FB1]  }
0x39: {  	_ = 	snop;
	(pc) =	sbr.ind lr, $3  }
0x3a: {  	_ = 	snop  }
0x3b: {  	_ = 	snop  }
0x3c: {  	p2 =	seq.s32 s10, $0x1;
	s10 =	sld [smem:$0x3FB0]  }
0x3d: {  	_ =	shalt  }
0x3e: {  	_ =	shalt  }
0x3f: {  	_ =	shalt  }
0x40: {  	_ =	shalt  }
0x41: {  	_ =	shalt  }
0x42: {  	_ =	shalt  }
0x43: {  	_ =	shalt  }
0x44: {  	_ =	shalt  }
0x45: {  	_ =	shalt  }
0x46: {  	_ =	shalt  }
0x47: {  	_ =	shalt  }
0x48: {  	_ =	shalt  }
0x49: {  	_ =	shalt  }
0x4a: {  	_ =	shalt  }
0x4b: {  	_ =	shalt  }
0x4c: {  	_ =	shalt  }
0x4d: {  	_ =	shalt  }
0x4e: {  	_ =	shalt  }
0x4f: {  	_ =	shalt  }
0x50: {  	_ =	shalt  }
0x51: {  	_ =	shalt  }
0x52: {  	_ =	shalt  }
0x53: {  	_ =	shalt  }
0x54: {  	_ =	shalt  }
0x55: {  	_ =	shalt  }
0x56: {  	_ =	shalt  }
0x57: {  	_ =	shalt  }
0x58: {  	_ =	shalt  }
0x59: {  	_ =	shalt  }
0x5a: {  	_ =	shalt  }
0x5b: {  	_ =	shalt  }
0x5c: {  	_ =	shalt  }
0x5d: {  	_ =	shalt  }
0x5e: {  	_ =	shalt  }
0x5f: {  	_ =	shalt  }
0x60: {  	_ =	shalt  }
0x61: {  	_ =	shalt  }
0x62: {  	_ =	shalt  }
0x63: {  	_ =	shalt  }
0x64: {  	_ =	shalt  }
0x65: {  	_ =	shalt  }
0x66: {  	_ =	shalt  }
0x67: {  	_ =	shalt  }
0x68: {  	_ =	shalt  }
0x69: {  	_ =	shalt  }
0x6a: {  	_ =	shalt  }
0x6b: {  	_ =	shalt  }
0x6c: {  	_ =	shalt  }
0x6d: {  	_ =	shalt  }
0x6e: {  	_ =	shalt  }
0x6f: {  	_ =	shalt  }
0x70: {  	_ =	shalt  }
0x71: {  	_ =	shalt  }
0x72: {  	_ =	shalt  }
0x73: {  	_ =	shalt  }
0x74: {  	_ =	shalt  }
0x75: {  	_ =	shalt  }
0x76: {  	_ =	shalt  }
0x77: {  	_ =	shalt  }
0x78: {  	_ =	shalt  }
0x79: {  	_ =	shalt  }
0x7a: {  	_ =	shalt  }
0x7b: {  	_ =	shalt  }
0x7c: {  	_ =	shalt  }
0x7d: {  	_ =	shalt  }
0x7e: {  	_ =	shalt  }
0x7f: {  	_ =	shalt  }
0x80: {  	_ =	shalt  }
0x81: {  	_ =	shalt  }
0x82: {  	_ =	shalt  }
0x83: {  	_ =	shalt  }
0x84: {  	_ =	shalt  }
0x85: {  	_ =	shalt  }
0x86: {  	_ =	shalt  }
0x87: {  	_ =	shalt  }
.Lfunc_end0:
.L_simem_size_0:
called_computation_lowered:
.L_overlay_start_0:
0x88: {  	s2 =	sld [smem:$0x3FD9]  }
0x89: {  	s3 =	sld [smem:$0x3FFE];
	_ =	sdelay $0x1  }
0x8a: {  	s1 =	srdreg.scid  }
0x8b: {  	s0 =	sand.u32 $0x1, s1  }
0x8c: {  	s14 =	sshll.u32 s0, $0xA;
	s2 =	sadd.s32 s3, s2  }
0x8d: {  	s2 =	sadd.s32 s2, s14  }
0x8e: {  	[smem:$0x3FBC] =	sst s2  }
0x8f: {  	_ = 	snop  }
0x90: {  	s2 =	sld [smem:$0x3FD0];
	_ =	sdelay $0x2  }
0x91: {  	s4 =	simm.s32 $0xA;
	s5 =	simm.s32 $0x10;
	s15 =	sld [smem:$0x3FC9]  }
0x92: {  	[smem:s5], [sflag:s4] =	dma.local [hbm:s2], $0x1  }
0x93: {  	_ =	swait.eq [sflag:s4], $0x1  }
0x94: {  	[sflag:s4] =	ssyncset.done $0x0  }
0x95: {  	[sflag:s4] =	ssyncadd.s32 $0xFFFFFFFF  }
0x96: {  	s16 =	sld [smem:$0x10];
	(tm) =	ssettm $0x1  }
0x97: {  	s17 =	sld [smem:$0x3FFB];
	_ =	sdelay $0x3  }
0x98: {  	_ =	strace s17  }
0x99: {  	s4 =	sld [smem:$0x3FFC];
	_ =	sdelay $0x3  }
0x9a: {  	_ =	strace s4  }
0x9b: {  	s4 =	sld [smem:$0x3FFD];
	_ =	sdelay $0x3  }
0x9c: {  	_ =	strace s4  }
0x9d: {  	_ =	strace $0x8FFFFFFF  }
0x9e: {  	s18 =	sld [smem:$0x3FDB];
	_ =	sdelay $0x1  }
0x9f: {  	s19 =	simm.s32 $_scs_section_size  }
0xa0: {  	s6 =	simm.s32 $_size__tile_overlayer_lowered;
	s7 =	simm.s32 $_tile_overlayer_lowered  }
0xa1: {  	s22 =	simm.s32 $0x1BFF;
	s21 =	sshll.u32 s7, $0x1;
	s4 =	sadd.s32 s19, s18  }
0xa2: {  	s8 =	simm.s32 $0x0;
	s20 =	sshll.u32 s6, $0x1;
	s6 =	sadd.s32 s21, s4  }
0xa3: {  	[timem:s8], [sflag:s22] =	dma.local [hbm:s6], s20  }
0xa4: {  	_ =	swait.ge [sflag:s22], s20  }
0xa5: {  	s5 =	ssub.s32 $0x0, s20;
	[sflag:s22] =	ssyncset.done $0x0  }
0xa6: {  	[sflag:s22] =	ssyncadd.s32 s5;
	_ =	sdelay $0x1  }
0xa7: {  	s23 =	simm.s32 $0x1B8B  }
0xa8: {  	_ =	swait.ge [sflag:s23], $0x1  }
0xa9: {  	[sflag:s23] =	ssyncset.done $0x0  }
0xaa: {  	s25 =	simm.s32 $0x1B8E;
	s24 =	sld [smem:$0x3FFE];
	[sflag:s23] =	ssyncadd.s32 $0xFFFFFFFF  }
0xab: {  	s26 =	simm.s32 $execute0_lowered;
	[smem:$0x3FD2] =	sst s25  }
0xac: {  	s6 =	sshll.u32 s26, $0x1;
	_ =	strace $0x80000046;
	[dreg:$0x1] =	wrdreg $0xFFFFFFFF  }
0xad: {  	s28 =	simm.s32 $_size_execute0_lowered;
	s4 =	sadd.s32 s4, s6;
	[dreg:$0x0] =	wrdreg $0x0  }
0xae: {  	s6 =	sshll.u32 s28, $0x1;
	[dreg:$0x2] =	wrdreg s4  }
0xaf: {  	[dreg:$0x3] =	wrdreg s6  }
0xb0: {  	[dreg:$0x4] =	wrdreg $0xC0  }
0xb1: {  	_ =	task [dreg:s8], $0x5FFFF  }
0xb2: {  	[dreg:$0x1] =	wrdreg $0xFFFFFFFF  }
0xb3: {  	[dreg:$0x0] =	wrdreg $0x60  }
0xb4: {  	[dreg:$0x2] =	wrdreg s15  }
0xb5: {  	[dreg:$0x3] =	wrdreg s24  }
0xb6: {  	[dreg:$0x4] =	wrdreg s16  }
0xb7: {  	[dreg:$0x5] =	wrdreg $0x8AC00  }
0xb8: {  	[dreg:$0x6] =	wrdreg $0x1C3400  }
0xb9: {  	[dreg:$0x7] =	wrdreg $0x9  }
0xba: {  	_ =	task.clear_ibuf [dreg:s8], $0x8FFFF;
	_ =	strace $0x90000046  }
0xbb: {  	s29 =	simm.s32 $0x9;
	_ =	strace $0x80000048  }
0xbc: {  	_ =	swait.ge [sflag:s29], $0x1  }
0xbd: {  	[sflag:s29] =	ssyncadd.s32 $0xFFFFFFFF  }
0xbe: {  	_ =	strace $0x90000048  }
0xbf: {  	_ =	sfence  }
0xc0: {  	s30 =	sld [smem:$0x0];
	_ =	sdelay $0x2  }
0xc1: {  	s31 =	sshll.u32 s1, $0xD;
	s1 =	sshrl.u32 s1, $0x2  }
0xc2: {  	s3 =	sand.u32 $0x4000, s31;
	s1 =	sadd.s32 s1, s30  }
0xc3: {  	s0 =	sor.u32 s3, s0;
	s1 =	sshll.u32 s1, $0x11  }
0xc4: {  	s0 =	sor.u32 s1, s0  }
0xc5: {  	s0 =	sadd.s32 $0x8F2B, s0  }
0xc6: {  	[sflag:s0] =	ssyncadd.remote.s32 $0x1  }
0xc7: {  	_ =	sfence.sel $0xFFFF  }
0xc8: {  	[dreg:$0x0] =	wrdreg $0xFFFFFFFF;
	(pc) =	sbr.abs _section_cstart, $3  }
0xc9: {  	[dreg:$0x1] =	wrdreg $0xFFFFFFFF  }
0xca: {  	_ =	task.clear_ibuf [dreg:s8], $0x2FFFF;
	_ =	strace $0x9FFFFFFF  }
0xcb: {  	(tm) =	ssettm $0x7FFFFFFF  }
tec
execute0_lowered:
.L_overlay_start_1:
0x0: {  	(tag) =	ssettag $0x1  }
0x1: {  	s1 =	rddreg [dreg:$0x0]  }
0x2: {  	s0 =	rddreg [dreg:$0x1]  }
0x3: {  	s4 =	rddreg [dreg:$0x2]  }
0x4: {  	s2 =	rddreg [dreg:$0x3]  }
0x5: {  	s3 =	rddreg [dreg:$0x4]  }
0x6: {  	s5 =	srdreg.scid;
	s14 =	stileid.u32  }
0x7: {  	s15 =	simm.s32 $0x77B0;
	s16 =	simm.s32 $0x9;
	s8 =	smul.u32 $0x13880, s14  }
0x8: {  	s17 =	simm.s32 $0x8430;
	s18 =	simm.s32 $0x2710;
	s13 =	smul.u32 $0x2710, s14  }
0x9: {  	s19 =	simm.s32 $0x50;
	s28 =	simm.s32 $0x85C0;
	s23 =	smul.u32 $0x4E200, s14  }
0xa: {  	s31 =	simm.s32 $0x8;
	s6 =	sand.u32 $0x1, s5;
	s24 =	smul.u32 $0x9C40, s14  }
0xb: {  	s5 =	simm.s32 $0x0;
	s10 =	sadd.s32 $0x3000, s0;
	s7 =	smul.u32 $0x138800, s6  }
0xc: {  	[smem:$0x7FF] =	sst s5;
	s9 =	sshll.u32 s6, $0x4;
	s11 =	ssub.s32 $0x2, s6  }
0xd: {  	s6 =	smul.u32 $0x27100, s6;
	_ =	strace $0x80000047;
	s9 =	sor.u32 s14, s9  }
0xe: {  	s12 =	sshrl.u32 s11, $0x1;
	s25 =	sadd.s32 s13, s3;
	s26 =	sshrl.u32 s23, $0x2  }
0xf: {  	s23 =	simm.s32 $0x1;
	s7 =	sadd.s32 s8, s7;
	s9 =	smul.u32 $0x2710, s9  }
0x10: {  	s20 =	ssub.s32 s11, s12;
	s6 =	sadd.s32 s13, s6;
	s8 =	sadd.s32 s8, s2  }
0x11: {  	s12 =	sadd.s32 s26, s2;
	s30 =	sshrl.u32 s25, $0x3;
	s7 =	sshrl.u32 s7, $0x3  }
0x12: {  	s29 =	sshrl.u32 s8, $0x3;
	[dreg:$0xd] =	wrdreg s30;
	s9 =	sshrl.u32 s9, $0x3  }
0x13: {  	s0 =	sadd.s32 s7, s0;
	s7 =	smax.u32 s20, $0x1;
	[dreg:$0xc] =	wrdreg s29  }
0x14: {  	s26 =	simm.s32 $0x5;
	s9 =	sadd.s32 s10, s9;
	[dreg:$0xb] =	wrdreg s7  }
0x15: {  	s22 =	sshrl.u32 s6, $0x3;
	s0 =	sadd.s32 $0x16A00, s0;
	[dreg:$0x6] =	wrdreg s9  }
0x16: {  	s6 =	sadd.s32 $0x4E2A0, s6;
	s21 =	sadd.s32 $0x9C40, s9;
	[dreg:$0x9] =	wrdreg s0  }
0x17: {  	s6 =	sshrl.u32 s6, $0x3;
	s9 =	sadd.s32 $0x9C4A, s9;
	[dreg:$0x7] =	wrdreg s21  }
0x18: {  	s14 =	sadd.s32 s6, s10;
	s0 =	sadd.s32 s4, s22;
	[dreg:$0x8] =	wrdreg s9  }
0x19: {  	v0 =	vimm.f32 $0.0e+00;
	vm0 =	vcmask $0x300;
	s7 =	simm.s32 $0x27B0;
	[dreg:$0xa] =	wrdreg s0;
	s0 =	sshrl.u32 s24, $0x2  }
0x1a: {  	v1 =	vsel vm0, $0x3F800000, v0;
	s21 =	simm.s32 $0x0;
	s13 =	sadd.s32 s0, s3;
	s0 =	simm.s32 $0x7  }
.LBB2_1:
0x1b: {  	s4 =	simm.s32 $0x0;
	s6 =	simm.s32 $0x200  }
.LBB2_2:
0x1c: {  	p0 =	sne.s32 s6, $0x3000;
	[tilespmem:s4+$0x7820] =	vst v0  }
0x1d: {  	[tilespmem:s4+$0x77B0] =	vst v0  }
0x1e: {  	[tilespmem:s4+$0x77C0] =	vst v0  }
.Ltmp0:
0x1f: {  	[tilespmem:s4+$0x77D0] =	vst v0;
	(pc) =	sbr.rel @p0 .LBB2_2-.Ltmp0, $4  }
0x20: {  	[tilespmem:s4+$0x77E0] =	vst v0  }
0x21: {  	[tilespmem:s4+$0x77F0] =	vst v0  }
0x22: {  	[tilespmem:s4+$0x7800] =	vst v0  }
0x23: {  	[tilespmem:s4+$0x7810] =	vst v0;
	s4 =	sshra.s32 s6, $0x2;
	s6 =	sadd.s32 $0x200, s6  }
0x24: {  	[tilespmem:s4+$0x7820] =	vst v0  }
0x25: {  	[tilespmem:s4+$0x77B0] =	vst v0  }
0x26: {  	[tilespmem:s4+$0x77C0] =	vst v0  }
0x27: {  	[tilespmem:s4+$0x77D0] =	vst v0  }
0x28: {  	[tilespmem:s4+$0x77E0] =	vst v0  }
0x29: {  	[tilespmem:s4+$0x77F0] =	vst v0  }
0x2a: {  	[tilespmem:s4+$0x7800] =	vst v0  }
0x2b: {  	[tilespmem:s4+$0x7810] =	vst v0;
	s30 =	sadd.s32 $0x0, s12  }
0x2c: {  	[spmem:s30] =	stream.linear.scatter [tilespmem:s15], [sflag:$0x9], $0xC80, $0x38;
	[tilespmem:$0x1EA50] =	vst v63  }
0x2d: {  	s4 =	simm.s32 $0x3200;
	_ =	swait.ge [sflag:s16], $0xC80  }
.LBB2_4:
0x2e: {  	s6 =	sshra.s32 s4, $0x2;
	[sflag:s16] =	ssyncset.done $0x0;
	p0 =	sne.s32 s4, $0x4B000  }
.Ltmp1:
0x2f: {  	s6 =	sadd.s32 s6, s12;
	[sflag:s16] =	ssyncadd.s32 $0xFFFFF380;
	(pc) =	sbr.rel @p0 .LBB2_4-.Ltmp1, $3  }
0x30: {  	[spmem:s6] =	stream.linear.scatter [tilespmem:s15], [sflag:$0x9], $0xC80, $0x38;
	[tilespmem:$0x1EA50] =	vst v63  }
0x31: {  	s4 =	sadd.s32 $0x3200, s4;
	_ =	sdelay $0x1  }
0x32: {  	_ =	swait.ge [sflag:s16], $0xC80  }
0x33: {  	[sflag:s16] =	ssyncset.done $0x0  }
0x34: {  	[sflag:s16] =	ssyncadd.s32 $0xFFFFF380  }
0x35: {  	[tilespmem:$0x8430] =	vst v0  }
0x36: {  	[tilespmem:$0x8440] =	vst v0  }
0x37: {  	[tilespmem:$0x8450] =	vst v0  }
0x38: {  	[tilespmem:$0x8460] =	vst v0  }
0x39: {  	[tilespmem:$0x8470] =	vst v0  }
0x3a: {  	[tilespmem:$0x8480] =	vst v0  }
0x3b: {  	[tilespmem:$0x8490] =	vst v0  }
0x3c: {  	[tilespmem:$0x84A0] =	vst v0  }
0x3d: {  	[tilespmem:$0x84B0] =	vst v0  }
0x3e: {  	[tilespmem:$0x84C0] =	vst v0  }
0x3f: {  	[tilespmem:$0x84D0] =	vst v0  }
0x40: {  	[tilespmem:$0x84E0] =	vst v0  }
0x41: {  	[tilespmem:$0x84F0] =	vst v0  }
0x42: {  	[tilespmem:$0x8500] =	vst v0  }
0x43: {  	[tilespmem:$0x8510] =	vst v0  }
0x44: {  	[tilespmem:$0x8520] =	vst v0  }
0x45: {  	[tilespmem:$0x8530] =	vst v0  }
0x46: {  	[tilespmem:$0x8540] =	vst v0  }
0x47: {  	[tilespmem:$0x8550] =	vst v0  }
0x48: {  	[tilespmem:$0x8560] =	vst v0  }
0x49: {  	[tilespmem:$0x8570] =	vst v0  }
0x4a: {  	[tilespmem:$0x8580] =	vst v0  }
0x4b: {  	[tilespmem:$0x8590] =	vst v0  }
0x4c: {  	[tilespmem:$0x85A0] =	vst v0  }
0x4d: {  	s4 =	simm.s32 $0x40;
	s6 =	simm.s32 $0x0;
	[tilespmem:$0x85B0] =	vst v0  }
.LBB2_6:
0x4e: {  	p0 =	sne.s32 s4, $0x13C0;
	[tilespmem:s6+$0x85C0] =	vst v1;
	s6 =	smov.u32 s4;
	s4 =	sadd.s32 $0x40, s4  }
.Ltmp2:
0x4f: {  	(pc) =	sbr.rel @p0 .LBB2_6-.Ltmp2, $2  }
0x50: {  	_ =	sdelay $0x2  }
0x51: {  	s6 =	sshra.s32 s6, $0x2  }
0x52: {  	[tilespmem:s6+$0x85C0] =	vst v1;
	s4 =	sadd.s32 $0x0, s13  }
0x53: {  	[spmem:s4] =	stream.linear.scatter [tilespmem:s17], [sflag:$0x9], $0x190, $0x38;
	[tilespmem:$0x1EA50] =	vst v63  }
0x54: {  	s4 =	simm.s32 $0x640;
	_ =	swait.ge [sflag:s16], $0x190  }
.LBB2_8:
0x55: {  	s6 =	sshra.s32 s4, $0x2;
	[sflag:s16] =	ssyncset.done $0x0;
	p0 =	sne.s32 s4, $0x9600  }
.Ltmp3:
0x56: {  	s6 =	sadd.s32 s6, s13;
	[sflag:s16] =	ssyncadd.s32 $0xFFFFFE70;
	(pc) =	sbr.rel @p0 .LBB2_8-.Ltmp3, $3  }
0x57: {  	[spmem:s6] =	stream.linear.scatter [tilespmem:s17], [sflag:$0x9], $0x190, $0x38;
	[tilespmem:$0x1EA50] =	vst v63  }
0x58: {  	s4 =	sadd.s32 $0x640, s4;
	_ =	sdelay $0x1  }
0x59: {  	_ =	swait.ge [sflag:s16], $0x190  }
0x5a: {  	[sflag:s16] =	ssyncset.done $0x0  }
0x5b: {  	[sflag:s16] =	ssyncadd.s32 $0xFFFFFE70  }
0x5c: {  	[bflag:$0x0] =	sbarrier.arrive $0xFFFF  }
0x5d: {  	s4 =	rddreg [dreg:$0x6]  }
0x5e: {  	[tilespmem:s5], [sflag:$0x9] =	stream.linear.gather [hbm4b:s4+s5], $0x2710, $0x38;
	[tilespmem:$0x1EA50] =	vst v63  }
0x5f: {  	_ =	swait.ge [sflag:s16], $0x2710  }
0x60: {  	[sflag:s16] =	ssyncset.done $0x0  }
0x61: {  	s22 =	rddreg [dreg:$0x7];
	[sflag:s16] =	ssyncadd.s32 $0xFFFFD8F0  }
0x62: {  	[tilespmem:s18], [sflag:$0x5] =	stream.linear.gather [hbm4b:s22+s5], $0x50, $0x38;
	[tilespmem:$0x1EA50] =	vst v63  }
0x63: {  	_ = 	snop  }
0x64: {  	[tilespmem:s7], [sflag:$0x1] =	stream.indirect.gather [hbm4b:s1+s19], $0x80, s5, s19, $0xb8;
	[tilespmem:$0x1EA50] =	vst v63  }
0x65: {  	s6 =	simm.s32 $0x2760;
	s24 =	rddreg [dreg:$0x8]  }
0x66: {  	[tilespmem:s6], [sflag:$0x6] =	stream.linear.gather [hbm4b:s24+s5], $0x50, $0x38;
	[tilespmem:$0x1EA50] =	vst v63  }
0x67: {  	s25 =	simm.s32 $0x4FB0  }
0x68: {  	[tilespmem:s25], [sflag:$0x2] =	stream.indirect.gather [hbm4b:s1+s19], $0x80, s19, s19, $0xb8;
	[tilespmem:$0x1EA50] =	vst v63  }
0x69: {  	_ =	swait.ge [sflag:s23], $0x2800  }
0x6a: {  	[sflag:s23] =	ssyncset.done $0x0  }
0x6b: {  	[sflag:s23] =	ssyncadd.s32 $0xFFFFD800  }
0x6c: {  	_ =	swait.ge [sflag:s26], $0x50  }
0x6d: {  	s29 =	simm.s32 $0x2;
	[sflag:s26] =	ssyncset.done $0x0  }
0x6e: {  	s4 =	sand.u32 $0x1, s29;
	[sflag:s26] =	ssyncadd.s32 $0xFFFFFFB0  }
0x6f: {  	[spmem:s2] =	stream.indirect.scatter.add.f32 [tilespmem:s7], [sflag:$0x3], $0x80, s18, s19, $0xb8;
	[tilespmem:$0x1EA50] =	vst v63  }
0x70: {  	s30 =	sadd.s32 $0x3, s4;
	s8 =	smul.u32 $0xA000, s4  }
0x71: {  	[spmem:s3] =	stream.indirect.scatter.add.f32 [tilespmem:s28], [sflag:$0x7], $0x10, s18, s19, $0xb8;
	[tilespmem:$0x1EA50] =	vst v63  }
0x72: {  	s9 =	simm.s32 $0x4;
	s10 =	smul.u32 $0x140, s4;
	_ =	swait.ge [sflag:s30], $0x2800  }
0x73: {  	s20 =	simm.s32 $0x1;
	s11 =	sadd.s32 $0x7, s4;
	[sflag:s30] =	ssyncset.done $0x0  }
0x74: {  	s8 =	sshrl.u32 s8, $0x2;
	s10 =	sshrl.u32 s10, $0x2;
	[sflag:s30] =	ssyncadd.s32 $0xFFFFD800  }
0x75: {  	s22 =	simm.s32 $0x3;
	s10 =	sadd.s32 $0x2710, s10;
	_ =	swait.ge [sflag:s11], $0x500  }
0x76: {  	s8 =	sadd.s32 $0x27B0, s8;
	s6 =	simm.s32 $0xA0;
	[sflag:s11] =	ssyncset.done $0x0  }
0x77: {  	s24 =	sadd.s32 $0x5, s4;
	s7 =	sand.u32 $0x1, s20;
	[sflag:s11] =	ssyncadd.s32 $0xFFFFFB00  }
0x78: {  	[tilespmem:s10], [sflag:s24] =	stream.linear.gather [hbm4b:s14+s5], $0x50, $0x38;
	[tilespmem:$0x1EA50] =	vst v63  }
0x79: {  	s4 =	sadd.s32 $0x1, s4;
	s25 =	smul.u32 $0xA000, s7;
	s29 =	sadd.s32 $0x1, s7  }
0x7a: {  	[tilespmem:s8], [sflag:s4] =	stream.indirect.gather [hbm4b:s1+s19], $0x80, s6, s19, $0xb8;
	[tilespmem:$0x1EA50] =	vst v63  }
0x7b: {  	s20 =	sadd.s32 $0x5, s7;
	s30 =	smul.u32 $0x140, s7;
	_ =	swait.ge [sflag:s29], $0x2800  }
0x7c: {  	s11 =	sadd.s32 $0x7, s7;
	s10 =	sshrl.u32 s25, $0x2;
	[sflag:s29] =	ssyncset.done $0x0  }
0x7d: {  	s24 =	sadd.s32 $0x3, s7;
	s7 =	simm.s32 $0xF0;
	[sflag:s29] =	ssyncadd.s32 $0xFFFFD800  }
0x7e: {  	s25 =	sadd.s32 $0x27B0, s10;
	s4 =	sadd.s32 $0xA, s14;
	_ =	swait.ge [sflag:s20], $0x50  }
0x7f: {  	s6 =	sshrl.u32 s30, $0x2;
	s8 =	sand.u32 $0x1, s22;
	[sflag:s20] =	ssyncset.done $0x0  }
0x80: {  	s6 =	sadd.s32 $0x2710, s6;
	s10 =	smul.u32 $0x140, s8;
	[sflag:s20] =	ssyncadd.s32 $0xFFFFFFB0  }
.LBB2_10:
0x81: {  	[spmem:s2] =	stream.indirect.scatter.add.f32 [tilespmem:s25], [sflag:s24], $0x80, s6, s19, $0xb8;
	[tilespmem:$0x1EA50] =	vst v63  }
0x82: {  	s20 =	smov.u32 s22;
	s22 =	smov.u32 s9;
	s24 =	smov.u32 s4  }
0x83: {  	s29 =	sadd.s32 $0x1, s9;
	s25 =	sadd.s32 $0x3, s8;
	s30 =	smul.u32 $0xA000, s8  }
0x84: {  	[spmem:s3] =	stream.indirect.scatter.add.f32 [tilespmem:s28], [sflag:s11], $0x10, s6, s19, $0xb8;
	[tilespmem:$0x1EA50] =	vst v63  }
0x85: {  	p0 =	sne.s32 s9, $0x7C;
	_ =	swait.ge [sflag:s25], $0x2800  }
0x86: {  	s6 =	sadd.s32 $0x7, s8;
	s9 =	sshrl.u32 s30, $0x2;
	[sflag:s25] =	ssyncset.done $0x0  }
0x87: {  	s4 =	sadd.s32 $0xA, s4;
	s10 =	sshrl.u32 s10, $0x2;
	[sflag:s25] =	ssyncadd.s32 $0xFFFFD800  }
0x88: {  	s11 =	sadd.s32 $0xFFFFFFFF, s20;
	s10 =	sadd.s32 $0x2710, s10;
	_ =	swait.ge [sflag:s6], $0x500  }
0x89: {  	s20 =	sadd.s32 $0x5, s8;
	s25 =	sand.u32 $0x1, s11;
	[sflag:s6] =	ssyncset.done $0x0  }
0x8a: {  	s11 =	sadd.s32 $0x7, s25;
	[sflag:s6] =	ssyncadd.s32 $0xFFFFFB00;
	s6 =	sadd.s32 $0x1, s8  }
0x8b: {  	[tilespmem:s10], [sflag:s20] =	stream.linear.gather [hbm4b:s24+s5], $0x50, $0x38;
	[tilespmem:$0x1EA50] =	vst v63  }
0x8c: {  	s8 =	sadd.s32 $0x27B0, s9;
	s9 =	smul.u32 $0xA000, s25;
	s10 =	sadd.s32 $0x1, s25  }
0x8d: {  	[tilespmem:s8], [sflag:s6] =	stream.indirect.gather [hbm4b:s1+s19], $0x80, s7, s19, $0xb8;
	[tilespmem:$0x1EA50] =	vst v63  }
0x8e: {  	s9 =	sshrl.u32 s9, $0x2;
	s6 =	smul.u32 $0x140, s25;
	_ =	swait.ge [sflag:s10], $0x2800  }
.Ltmp4:
0x8f: {  	s20 =	sadd.s32 $0x5, s25;
	[sflag:s10] =	ssyncset.done $0x0;
	(pc) =	sbr.rel @p0 .LBB2_10-.Ltmp4, $4  }
0x90: {  	s24 =	sadd.s32 $0x3, s25;
	s6 =	sshrl.u32 s6, $0x2;
	[sflag:s10] =	ssyncadd.s32 $0xFFFFD800  }
0x91: {  	s8 =	sand.u32 $0x1, s22;
	s6 =	sadd.s32 $0x2710, s6;
	_ =	swait.ge [sflag:s20], $0x50  }
0x92: {  	s25 =	sadd.s32 $0x27B0, s9;
	s7 =	sadd.s32 $0x50, s7;
	[sflag:s20] =	ssyncset.done $0x0  }
0x93: {  	s9 =	smov.u32 s29;
	s10 =	smul.u32 $0x140, s8;
	[sflag:s20] =	ssyncadd.s32 $0xFFFFFFB0  }
0x94: {  	[spmem:s2] =	stream.indirect.scatter.add.f32 [tilespmem:s25], [sflag:s24], $0x80, s6, s19, $0xb8;
	[tilespmem:$0x1EA50] =	vst v63  }
0x95: {  	s25 =	sadd.s32 $0x3, s8  }
0x96: {  	[spmem:s3] =	stream.indirect.scatter.add.f32 [tilespmem:s28], [sflag:s11], $0x10, s6, s19, $0xb8;
	[tilespmem:$0x1EA50] =	vst v63  }
0x97: {  	_ =	swait.ge [sflag:s25], $0x2800  }
0x98: {  	[sflag:s25] =	ssyncset.done $0x0  }
0x99: {  	s9 =	sadd.s32 $0x7, s8;
	[sflag:s25] =	ssyncadd.s32 $0xFFFFD800  }
0x9a: {  	s29 =	smul.u32 $0xA000, s8;
	_ =	swait.ge [sflag:s9], $0x500  }
0x9b: {  	s30 =	sadd.s32 $0x5, s8;
	s10 =	sshrl.u32 s10, $0x2;
	[sflag:s9] =	ssyncset.done $0x0  }
0x9c: {  	s10 =	sadd.s32 $0x2710, s10;
	s11 =	sadd.s32 $0xFFFFFFFF, s22;
	[sflag:s9] =	ssyncadd.s32 $0xFFFFFB00  }
0x9d: {  	[tilespmem:s10], [sflag:s30] =	stream.linear.gather [hbm4b:s4+s5], $0x50, $0x38;
	[tilespmem:$0x1EA50] =	vst v63  }
0x9e: {  	s6 =	sand.u32 $0x1, s11;
	s10 =	sshrl.u32 s29, $0x2  }
0x9f: {  	s20 =	sadd.s32 $0x1, s8;
	s22 =	sadd.s32 $0x1, s6;
	s4 =	sadd.s32 $0x27B0, s10  }
0xa0: {  	[tilespmem:s4], [sflag:s20] =	stream.indirect.gather [hbm4b:s1+s19], $0x80, s7, s19, $0xb8;
	[tilespmem:$0x1EA50] =	vst v63  }
0xa1: {  	_ =	swait.ge [sflag:s22], $0x2800  }
0xa2: {  	s25 =	smul.u32 $0xA000, s6;
	[sflag:s22] =	ssyncset.done $0x0  }
0xa3: {  	s24 =	smul.u32 $0x140, s6;
	s29 =	sadd.s32 $0x5, s6;
	[sflag:s22] =	ssyncadd.s32 $0xFFFFD800  }
0xa4: {  	s8 =	sshrl.u32 s25, $0x2;
	_ =	swait.ge [sflag:s29], $0x50  }
0xa5: {  	s8 =	sadd.s32 $0x27B0, s8;
	s7 =	sshrl.u32 s24, $0x2;
	[sflag:s29] =	ssyncset.done $0x0  }
0xa6: {  	s30 =	sadd.s32 $0x3, s6;
	s7 =	sadd.s32 $0x2710, s7;
	[sflag:s29] =	ssyncadd.s32 $0xFFFFFFB0  }
0xa7: {  	[spmem:s2] =	stream.indirect.scatter.add.f32 [tilespmem:s8], [sflag:s30], $0x80, s7, s19, $0xb8;
	[tilespmem:$0x1EA50] =	vst v63  }
0xa8: {  	s9 =	sadd.s32 $0x7, s6;
	s10 =	simm.s32 $0x4  }
0xa9: {  	[spmem:s3] =	stream.indirect.scatter.add.f32 [tilespmem:s28], [sflag:s9], $0x10, s7, s19, $0xb8;
	[tilespmem:$0x1EA50] =	vst v63  }
0xaa: {  	_ =	swait.ge [sflag:s10], $0x2800  }
0xab: {  	[sflag:s10] =	ssyncset.done $0x0  }
0xac: {  	[sflag:s10] =	ssyncadd.s32 $0xFFFFD800  }
0xad: {  	_ =	swait.ge [sflag:s23], $0x2800  }
0xae: {  	[sflag:s23] =	ssyncset.done $0x0  }
0xaf: {  	[sflag:s23] =	ssyncadd.s32 $0xFFFFD800  }
0xb0: {  	_ =	swait.ge [sflag:s26], $0x50  }
0xb1: {  	[sflag:s26] =	ssyncset.done $0x0  }
0xb2: {  	s11 =	simm.s32 $0x3;
	s7 =	simm.s32 $0x27B0;
	[sflag:s26] =	ssyncadd.s32 $0xFFFFFFB0  }
0xb3: {  	[spmem:s2] =	stream.indirect.scatter.add.f32 [tilespmem:s7], [sflag:$0x3], $0x80, s18, s19, $0xb8;
	[tilespmem:$0x1EA50] =	vst v63  }
0xb4: {  	_ =	swait.ge [sflag:s11], $0x2800  }
0xb5: {  	[sflag:s11] =	ssyncset.done $0x0  }
0xb6: {  	[sflag:s11] =	ssyncadd.s32 $0xFFFFD800  }
0xb7: {  	_ =	swait.ge [sflag:s31], $0x500  }
0xb8: {  	[sflag:s31] =	ssyncset.done $0x0  }
0xb9: {  	[sflag:s31] =	ssyncadd.s32 $0xFFFFFB00  }
0xba: {  	[spmem:s3] =	stream.indirect.scatter.add.f32 [tilespmem:s28], [sflag:$0x7], $0x10, s18, s19, $0xb8;
	[tilespmem:$0x1EA50] =	vst v63  }
0xbb: {  	_ =	swait.ge [sflag:s0], $0x500  }
0xbc: {  	[sflag:s0] =	ssyncset.done $0x0  }
0xbd: {  	[sflag:s0] =	ssyncadd.s32 $0xFFFFFB00  }
0xbe: {  	s20 =	stileid.u32;
	[bflag:$0x0] =	sbarrier.arrive $0xFFFF  }
0xbf: {  	s4 =	sshll.u32 s20, $0x6;
	s22 =	rddreg [dreg:$0x9]  }
0xc0: {  	s4 =	sor.u32 $0x1C09, s4;
	s24 =	rddreg [dreg:$0xc]  }
0xc1: {  	[hbm:s22], [sflag:s4] =	dma.local [spmem:s24], $0x2710  }
0xc2: {  	_ =	swait.ge [sflag:s16], $0x2710  }
0xc3: {  	[sflag:s16] =	ssyncset.done $0x0;
	s25 =	rddreg [dreg:$0xa]  }
0xc4: {  	s29 =	rddreg [dreg:$0xd];
	[sflag:s16] =	ssyncadd.s32 $0xFFFFD8F0  }
0xc5: {  	[hbm:s25], [sflag:s4] =	dma.local [spmem:s29], $0x4E2  }
0xc6: {  	_ =	swait.ge [sflag:s16], $0x4E2  }
0xc7: {  	s21 =	sadd.s32 $0x1, s21;
	s30 =	rddreg [dreg:$0xb]  }
0xc8: {  	p0 =	sne.s32 s21, s30  }
.Ltmp5:
0xc9: {  	_ = 	snop;
	(pc) =	sbr.rel @p0 .LBB2_1-.Ltmp5, $3  }
0xca: {  	_ =	sdelay $0x1  }
0xcb: {  	[sflag:s16] =	ssyncset.done $0x0  }
0xcc: {  	[sflag:s16] =	ssyncadd.s32 $0xFFFFFB1E  }
0xcd: {  	_ =	sfence.sel $0x180000  }
0xce: {  	[bflag:$0x0] =	sbarrier.arrive $0xFFFF  }
0xcf: {  	_ =	strace $0x90000047  }
0xd0: {  	s0 =	stileid.u32;
	[bflag:$0x2] =	sbarrier.arrive $0xFFFF  }
0xd1: {  	p0 =	sne.s32 s0, $0x0;
	s0 =	rddreg [dreg:$0x5]  }
0xd2: {  	s0 =	sadd.s32 @!p0 $0x100000, s0  }
0xd3: {  	[sflag:s0] =	ssyncadd.tile.s32 @!p0 $0x1;
	_ =	shalt  }
.Lfunc_end2:
_tile_overlayer_lowered:
.L_overlay_start_2:
0xd4: {  	(tag) =	ssettag $0x2  }
0xd5: {  	s0 =	rddreg [dreg:$0x0];
	s2 =	stileid.u32  }
0xd6: {  	s1 =	rddreg [dreg:$0x1];
	p0 =	sne.s32 s2, $0x0  }
0xd7: {  	s3 =	rddreg [dreg:$0x2];
	[bflag:$0x3] =	sbarrier.arrive $0xFFFF;
	s2 =	simm.s32 @!p0 $0x1C09  }
0xd8: {  	[timem:s3], [sflag:s2] =	dma.local @!p0 [hbm:s0], s1  }
0xd9: {  	s0 =	simm.s32 @!p0 $0x9  }
0xda: {  	_ =	swait.ge @!p0 [sflag:s0], s1  }
0xdb: {  	s1 =	ssub.s32 @!p0 $0x0, s1;
	[sflag:s0] =	ssyncset.done @!p0 $0x0  }
0xdc: {  	[sflag:s0] =	ssyncadd.s32 @!p0 s1  }
0xdd: {  	[bflag:$0x3] =	sbarrier.arrive $0xFFFF  }
0xde: {  	_ =	shalt  }

// kernel: sage_sc_agg_plain.3.cloned.1.call-start
scs
__scs_entry_jumppad:
0x0: {  	(pc) =	sbr.rel $0x88, $3  }
0x1: {  	(tag) =	ssettag $0x0;
	lr =	simm.s32 $0x1  }
0x2: {  	[smem:$0x3F95] =	sst lr;
	_ =	strace $0xD0000000  }
0x3: {  	_ = 	snop  }
0x4: {  	_ = 	snop  }
0x5: {  	_ = 	snop  }
0x6: {  	_ = 	snop  }
0x7: {  	_ = 	snop  }
__scs_overlays_trampoline_lowered:
0x8: {  	[smem:$0x3FA4] =	sst s0  }
0x9: {  	[smem:$0x3FA5] =	sst s1  }
0xa: {  	[smem:$0x3FA6] =	sst s2  }
0xb: {  	[smem:$0x3FA7] =	sst s3  }
0xc: {  	[smem:$0x3FA8] =	sst s4  }
0xd: {  	[smem:$0x3FA9] =	sst s5  }
0xe: {  	[smem:$0x3FAA] =	sst s6  }
0xf: {  	[smem:$0x3FAB] =	sst s7  }
0x10: {  	[smem:$0x3FAC] =	sst s8  }
0x11: {  	[smem:$0x3FAD] =	sst s9;
	s0 =	simm.s32 @!p0 $0x0  }
0x12: {  	s1 =	sld [smem:$0x3F93];
	s0 =	simm.s32 @p0 $0x1  }
0x13: {  	[smem:$0x3FAE] =	sst s0;
	s0 =	simm.s32 @!p1 $0x0  }
0x14: {  	s2 =	sld [smem:$0x3F92];
	s0 =	simm.s32 @p1 $0x1  }
0x15: {  	[smem:$0x3FAF] =	sst s0;
	s0 =	simm.s32 @!p2 $0x0  }
0x16: {  	s3 =	sld [smem:$0x3FDB];
	s0 =	simm.s32 @p2 $0x1  }
0x17: {  	s4 =	simm.s32 $0x1BF5;
	[smem:$0x3FB1] =	sst s0  }
0x18: {  	s0 =	sld [smem:$0x3F94];
	_ =	swait.ge [sflag:s4], $0x0  }
0x19: {  	s7 =	sld [smem:$0x3F95]  }
0x1a: {  	s8 =	sadd.s32 $0xFFFFE003, lr  }
0x1b: {  	s9 =	sadd.s32 $0xFFFFFEF7, lr;
	s5 =	simm.s32 $0xFFFFFFFF;
	p2 =	slt.u32 s8, $0xFFFFF086  }
0x1c: {  	p1 =	slt.u32 s9, $0xF7A;
	s5 =	simm.s32 @!p2 $0x0  }
0x1d: {  	s5 =	simm.s32 @p1 $0x1;
	p0 =	seq.s32 s7, s2  }
0x1e: {  	s7 =	smul.u32 @!p0 $0xF7A, s2;
	p2 =	seq.s32 @!p0 s5, $0x0  }
0x1f: {  	s9 =	smul.u32 $0xF7A, s1;
	s8 =	simm.s32 @!p0 $0x1BF5;
	p2 =	por !p2, p0  }
0x20: {  	[sflag:s8] =	ssyncset.s32 @!p0 $0xFFFFF086;
	s6 =	sadd.s32 @!p0 s3, s7;
	s7 =	simm.s32 @!p0 $0x108  }
0x21: {  	s3 =	sadd.s32 s3, s9;
	s6 =	sadd.s32 @!p0 $0x88, s6;
	s7 =	simm.s32 @p2 $0x1082  }
0x22: {  	[simem:s7], [sflag:s8] =	dma.local @!p0 [hbm:s6], $0xF7A  }
0x23: {  	s9 =	sor.u32 $0xD0000000, s2;
	s6 =	simm.s32 $0x108;
	_ =	swait.ge @!p0 [sflag:s8], $0x0  }
0x24: {  	s3 =	sadd.s32 $0x88, s3;
	s6 =	simm.s32 @!p1 $0x1082;
	[sflag:s4] =	ssyncset.s32 $0xFFFFF086  }
0x25: {  	[simem:s6], [sflag:s4] =	dma.local [hbm:s3], $0xF7A  }
0x26: {  	[smem:$0x3F95] =	sst s1;
	(tag) =	ssettag s2;
	_ =	strace s9  }
0x27: {  	s1 =	sld [smem:$0x3FA5]  }
0x28: {  	s2 =	sld [smem:$0x3FA6]  }
0x29: {  	s4 =	sld [smem:$0x3FA8]  }
0x2a: {  	p0 =	seq.s32 s5, $0x0;
	s5 =	sld [smem:$0x3FA9]  }
0x2b: {  	s6 =	sld [smem:$0x3FAA]  }
0x2c: {  	s7 =	sld [smem:$0x3FAB]  }
0x2d: {  	s3 =	simm.s32 $0x108;
	s8 =	sld [smem:$0x3FAC]  }
0x2e: {  	s3 =	simm.s32 @!p0 $0x1082;
	s9 =	sld [smem:$0x3FAD]  }
0x2f: {  	lr =	sadd.s32 s0, s3;
	s0 =	sld [smem:$0x3FA4]  }
0x30: {  	s3 =	sld [smem:$0x3FA7]  }
0x31: {  	[smem:$0x3FB0] =	sst s10  }
0x32: {  	s10 =	sld [smem:$0x3FAE];
	_ =	sdelay $0x3  }
0x33: {  	p0 =	seq.s32 s10, $0x1;
	s10 =	sld [smem:$0x3FB0];
	_ =	sdelay $0x3  }
0x34: {  	[smem:$0x3FB0] =	sst s10  }
0x35: {  	s10 =	sld [smem:$0x3FAF];
	_ =	sdelay $0x3  }
0x36: {  	p1 =	seq.s32 s10, $0x1;
	s10 =	sld [smem:$0x3FB0];
	_ =	sdelay $0x3  }
0x37: {  	[smem:$0x3FB0] =	sst s10  }
0x38: {  	s10 =	sld [smem:$0x3FB1]  }
0x39: {  	_ = 	snop;
	(pc) =	sbr.ind lr, $3  }
0x3a: {  	_ = 	snop  }
0x3b: {  	_ = 	snop  }
0x3c: {  	p2 =	seq.s32 s10, $0x1;
	s10 =	sld [smem:$0x3FB0]  }
0x3d: {  	_ =	shalt  }
0x3e: {  	_ =	shalt  }
0x3f: {  	_ =	shalt  }
0x40: {  	_ =	shalt  }
0x41: {  	_ =	shalt  }
0x42: {  	_ =	shalt  }
0x43: {  	_ =	shalt  }
0x44: {  	_ =	shalt  }
0x45: {  	_ =	shalt  }
0x46: {  	_ =	shalt  }
0x47: {  	_ =	shalt  }
0x48: {  	_ =	shalt  }
0x49: {  	_ =	shalt  }
0x4a: {  	_ =	shalt  }
0x4b: {  	_ =	shalt  }
0x4c: {  	_ =	shalt  }
0x4d: {  	_ =	shalt  }
0x4e: {  	_ =	shalt  }
0x4f: {  	_ =	shalt  }
0x50: {  	_ =	shalt  }
0x51: {  	_ =	shalt  }
0x52: {  	_ =	shalt  }
0x53: {  	_ =	shalt  }
0x54: {  	_ =	shalt  }
0x55: {  	_ =	shalt  }
0x56: {  	_ =	shalt  }
0x57: {  	_ =	shalt  }
0x58: {  	_ =	shalt  }
0x59: {  	_ =	shalt  }
0x5a: {  	_ =	shalt  }
0x5b: {  	_ =	shalt  }
0x5c: {  	_ =	shalt  }
0x5d: {  	_ =	shalt  }
0x5e: {  	_ =	shalt  }
0x5f: {  	_ =	shalt  }
0x60: {  	_ =	shalt  }
0x61: {  	_ =	shalt  }
0x62: {  	_ =	shalt  }
0x63: {  	_ =	shalt  }
0x64: {  	_ =	shalt  }
0x65: {  	_ =	shalt  }
0x66: {  	_ =	shalt  }
0x67: {  	_ =	shalt  }
0x68: {  	_ =	shalt  }
0x69: {  	_ =	shalt  }
0x6a: {  	_ =	shalt  }
0x6b: {  	_ =	shalt  }
0x6c: {  	_ =	shalt  }
0x6d: {  	_ =	shalt  }
0x6e: {  	_ =	shalt  }
0x6f: {  	_ =	shalt  }
0x70: {  	_ =	shalt  }
0x71: {  	_ =	shalt  }
0x72: {  	_ =	shalt  }
0x73: {  	_ =	shalt  }
0x74: {  	_ =	shalt  }
0x75: {  	_ =	shalt  }
0x76: {  	_ =	shalt  }
0x77: {  	_ =	shalt  }
0x78: {  	_ =	shalt  }
0x79: {  	_ =	shalt  }
0x7a: {  	_ =	shalt  }
0x7b: {  	_ =	shalt  }
0x7c: {  	_ =	shalt  }
0x7d: {  	_ =	shalt  }
0x7e: {  	_ =	shalt  }
0x7f: {  	_ =	shalt  }
0x80: {  	_ =	shalt  }
0x81: {  	_ =	shalt  }
0x82: {  	_ =	shalt  }
0x83: {  	_ =	shalt  }
0x84: {  	_ =	shalt  }
0x85: {  	_ =	shalt  }
0x86: {  	_ =	shalt  }
0x87: {  	_ =	shalt  }
.Lfunc_end0:
.L_simem_size_0:
called_computation.1_lowered:
.L_overlay_start_0:
0x88: {  	s2 =	sld [smem:$0x3FD9]  }
0x89: {  	s3 =	sld [smem:$0x3FFE];
	_ =	sdelay $0x1  }
0x8a: {  	s1 =	srdreg.scid  }
0x8b: {  	s0 =	sand.u32 $0x1, s1  }
0x8c: {  	s14 =	sshll.u32 s0, $0xA;
	s2 =	sadd.s32 s3, s2  }
0x8d: {  	s2 =	sadd.s32 s2, s14  }
0x8e: {  	[smem:$0x3FBC] =	sst s2  }
0x8f: {  	_ = 	snop  }
0x90: {  	s2 =	sld [smem:$0x3FD0];
	_ =	sdelay $0x2  }
0x91: {  	s15 =	simm.s32 $0xA;
	s4 =	simm.s32 $0x10  }
0x92: {  	[smem:s4], [sflag:s15] =	dma.local [hbm:s2], $0x1  }
0x93: {  	_ =	swait.eq [sflag:s15], $0x1  }
0x94: {  	[sflag:s15] =	ssyncset.done $0x0  }
0x95: {  	[sflag:s15] =	ssyncadd.s32 $0xFFFFFFFF  }
0x96: {  	s16 =	sld [smem:$0x10];
	(tm) =	ssettm $0x1  }
0x97: {  	s17 =	sld [smem:$0x3FFB];
	_ =	sdelay $0x3  }
0x98: {  	_ =	strace s17  }
0x99: {  	s3 =	sld [smem:$0x3FFC];
	_ =	sdelay $0x3  }
0x9a: {  	_ =	strace s3  }
0x9b: {  	s3 =	sld [smem:$0x3FFD];
	_ =	sdelay $0x3  }
0x9c: {  	_ =	strace s3  }
0x9d: {  	_ =	strace $0x8FFFFFFF  }
0x9e: {  	s18 =	sld [smem:$0x3FDB];
	_ =	sdelay $0x1  }
0x9f: {  	s19 =	simm.s32 $_scs_section_size  }
0xa0: {  	s5 =	simm.s32 $_size__tile_overlayer_lowered;
	s6 =	simm.s32 $_tile_overlayer_lowered  }
0xa1: {  	s22 =	simm.s32 $0x1BFF;
	s21 =	sshll.u32 s6, $0x1;
	s3 =	sadd.s32 s19, s18  }
0xa2: {  	s7 =	simm.s32 $0x0;
	s20 =	sshll.u32 s5, $0x1;
	s5 =	sadd.s32 s21, s3  }
0xa3: {  	[timem:s7], [sflag:s22] =	dma.local [hbm:s5], s20  }
0xa4: {  	_ =	swait.ge [sflag:s22], s20  }
0xa5: {  	s4 =	ssub.s32 $0x0, s20;
	[sflag:s22] =	ssyncset.done $0x0  }
0xa6: {  	[sflag:s22] =	ssyncadd.s32 s4;
	_ =	sdelay $0x1  }
0xa7: {  	s23 =	simm.s32 $0x1B8B  }
0xa8: {  	_ =	swait.ge [sflag:s23], $0x1  }
0xa9: {  	[sflag:s23] =	ssyncset.done $0x0  }
0xaa: {  	s25 =	simm.s32 $0x1B8E;
	s24 =	sld [smem:$0x3FFE];
	[sflag:s23] =	ssyncadd.s32 $0xFFFFFFFF  }
0xab: {  	s26 =	simm.s32 $execute0_lowered;
	[smem:$0x3FD2] =	sst s25  }
0xac: {  	s5 =	sshll.u32 s26, $0x1;
	_ =	strace $0x80000049;
	[dreg:$0x1] =	wrdreg $0xFFFFFFFF  }
0xad: {  	s28 =	simm.s32 $_size_execute0_lowered;
	s3 =	sadd.s32 s3, s5;
	[dreg:$0x0] =	wrdreg $0x0  }
0xae: {  	s5 =	sshll.u32 s28, $0x1;
	[dreg:$0x2] =	wrdreg s3  }
0xaf: {  	[dreg:$0x3] =	wrdreg s5  }
0xb0: {  	[dreg:$0x4] =	wrdreg $0xC0  }
0xb1: {  	_ =	task [dreg:s7], $0x5FFFF  }
0xb2: {  	[dreg:$0x1] =	wrdreg $0xFFFFFFFF  }
0xb3: {  	[dreg:$0x0] =	wrdreg $0x60  }
0xb4: {  	[dreg:$0x2] =	wrdreg s16  }
0xb5: {  	[dreg:$0x3] =	wrdreg s24  }
0xb6: {  	[dreg:$0x4] =	wrdreg $0x84300  }
0xb7: {  	[dreg:$0x5] =	wrdreg $0x9  }
0xb8: {  	_ =	task.clear_ibuf [dreg:s7], $0x6FFFF;
	_ =	strace $0x90000049  }
0xb9: {  	s29 =	simm.s32 $0x9;
	_ =	strace $0x8000004B  }
0xba: {  	_ =	swait.ge [sflag:s29], $0x1  }
0xbb: {  	[sflag:s29] =	ssyncadd.s32 $0xFFFFFFFF  }
0xbc: {  	_ =	strace $0x9000004B  }
0xbd: {  	_ =	sfence  }
0xbe: {  	s30 =	sld [smem:$0x0];
	_ =	sdelay $0x2  }
0xbf: {  	s31 =	sshll.u32 s1, $0xD;
	s1 =	sshrl.u32 s1, $0x2  }
0xc0: {  	s3 =	sand.u32 $0x4000, s31;
	s1 =	sadd.s32 s1, s30  }
0xc1: {  	s0 =	sor.u32 s3, s0;
	s1 =	sshll.u32 s1, $0x11  }
0xc2: {  	s0 =	sor.u32 s1, s0  }
0xc3: {  	s0 =	sadd.s32 $0x8F2B, s0  }
0xc4: {  	[sflag:s0] =	ssyncadd.remote.s32 $0x1  }
0xc5: {  	_ =	sfence.sel $0xFFFF  }
0xc6: {  	[dreg:$0x0] =	wrdreg $0xFFFFFFFF;
	(pc) =	sbr.abs _section_cstart, $3  }
0xc7: {  	[dreg:$0x1] =	wrdreg $0xFFFFFFFF  }
0xc8: {  	_ =	task.clear_ibuf [dreg:s7], $0x2FFFF;
	_ =	strace $0x9FFFFFFF  }
0xc9: {  	(tm) =	ssettm $0x7FFFFFFF  }
tec
execute0_lowered:
.L_overlay_start_1:
0x0: {  	(tag) =	ssettag $0x1  }
0x1: {  	s1 =	rddreg [dreg:$0x0];
	s0 =	srdreg.scid  }
0x2: {  	s2 =	rddreg [dreg:$0x1];
	s28 =	stileid.u32  }
0x3: {  	s3 =	rddreg [dreg:$0x2];
	s4 =	simm.s32 $0x0;
	s15 =	simm.s32 $0x50  }
0x4: {  	s16 =	simm.s32 $0x27B0;
	s18 =	simm.s32 $0x4FB0;
	s19 =	simm.s32 $0x1  }
0x5: {  	s20 =	simm.s32 $0x5;
	s21 =	simm.s32 $0x4;
	s9 =	smul.u32 $0x13880, s28  }
0x6: {  	s22 =	simm.s32 $0x3;
	s24 =	simm.s32 $0x0;
	s13 =	smul.u32 $0x2710, s28  }
0x7: {  	s5 =	sand.u32 $0x1, s0;
	[smem:$0x7FF] =	sst s4;
	s14 =	smul.u32 $0x4E200, s28  }
0x8: {  	s11 =	sadd.s32 $0x3000, s2;
	s6 =	smul.u32 $0x138800, s5;
	s7 =	sshll.u32 s5, $0x4  }
0x9: {  	_ =	strace $0x8000004A;
	s8 =	ssub.s32 $0x2, s5;
	s10 =	smul.u32 $0x27100, s5  }
0xa: {  	s7 =	sor.u32 s28, s7;
	s12 =	sshrl.u32 s8, $0x1;
	s29 =	sadd.s32 s9, s3  }
0xb: {  	s30 =	sshrl.u32 s14, $0x2;
	s14 =	simm.s32 $0x2710;
	s6 =	sadd.s32 s9, s6  }
0xc: {  	s7 =	smul.u32 $0x2710, s7;
	s12 =	ssub.s32 s8, s12;
	s10 =	sadd.s32 s13, s10  }
0xd: {  	s13 =	simm.s32 $0x7;
	s23 =	sshrl.u32 s29, $0x3;
	s6 =	sshrl.u32 s6, $0x3  }
0xe: {  	s10 =	sadd.s32 $0x4E2A0, s10;
	s9 =	smax.u32 s12, $0x1;
	s12 =	simm.s32 $0x77B0  }
0xf: {  	s7 =	sshrl.u32 s7, $0x3;
	s2 =	sadd.s32 s6, s2;
	s31 =	sshrl.u32 s10, $0x3  }
0x10: {  	s10 =	sadd.s32 s30, s3;
	s5 =	sadd.s32 s11, s7;
	s8 =	sadd.s32 $0x16A00, s2  }
0x11: {  	v0 =	vimm.f32 $0.0e+00;
	s11 =	sadd.s32 s31, s11;
	s6 =	sadd.s32 $0x9C40, s5;
	s7 =	sadd.s32 $0x9C4A, s5  }
.LBB2_1:
0x12: {  	s25 =	simm.s32 $0x0;
	s26 =	simm.s32 $0x200  }
.LBB2_2:
0x13: {  	p0 =	sne.s32 s26, $0x3000;
	[tilespmem:s25+$0x7820] =	vst v0  }
0x14: {  	[tilespmem:s25+$0x77B0] =	vst v0  }
0x15: {  	[tilespmem:s25+$0x77C0] =	vst v0  }
.Ltmp0:
0x16: {  	[tilespmem:s25+$0x77D0] =	vst v0;
	(pc) =	sbr.rel @p0 .LBB2_2-.Ltmp0, $4  }
0x17: {  	[tilespmem:s25+$0x77E0] =	vst v0  }
0x18: {  	[tilespmem:s25+$0x77F0] =	vst v0  }
0x19: {  	[tilespmem:s25+$0x7800] =	vst v0  }
0x1a: {  	[tilespmem:s25+$0x7810] =	vst v0;
	s25 =	sshra.s32 s26, $0x2;
	s26 =	sadd.s32 $0x200, s26  }
0x1b: {  	[tilespmem:s25+$0x7820] =	vst v0  }
0x1c: {  	[tilespmem:s25+$0x77B0] =	vst v0  }
0x1d: {  	[tilespmem:s25+$0x77C0] =	vst v0  }
0x1e: {  	[tilespmem:s25+$0x77D0] =	vst v0  }
0x1f: {  	[tilespmem:s25+$0x77E0] =	vst v0  }
0x20: {  	[tilespmem:s25+$0x77F0] =	vst v0  }
0x21: {  	[tilespmem:s25+$0x7800] =	vst v0  }
0x22: {  	[tilespmem:s25+$0x7810] =	vst v0;
	s2 =	sadd.s32 $0x0, s10  }
0x23: {  	[spmem:s2] =	stream.linear.scatter [tilespmem:s12], [sflag:$0x7], $0xC80, $0x38;
	[tilespmem:$0x1BCB0] =	vst v63  }
0x24: {  	s25 =	simm.s32 $0x3200;
	_ =	swait.ge [sflag:s13], $0xC80  }
.LBB2_4:
0x25: {  	s2 =	sshra.s32 s25, $0x2;
	[sflag:s13] =	ssyncset.done $0x0;
	p0 =	sne.s32 s25, $0x4B000  }
.Ltmp1:
0x26: {  	s2 =	sadd.s32 s2, s10;
	[sflag:s13] =	ssyncadd.s32 $0xFFFFF380;
	(pc) =	sbr.rel @p0 .LBB2_4-.Ltmp1, $3  }
0x27: {  	[spmem:s2] =	stream.linear.scatter [tilespmem:s12], [sflag:$0x7], $0xC80, $0x38;
	[tilespmem:$0x1BCB0] =	vst v63  }
0x28: {  	s25 =	sadd.s32 $0x3200, s25;
	_ =	sdelay $0x1  }
0x29: {  	_ =	swait.ge [sflag:s13], $0xC80  }
0x2a: {  	[sflag:s13] =	ssyncset.done $0x0  }
0x2b: {  	[sflag:s13] =	ssyncadd.s32 $0xFFFFF380  }
0x2c: {  	[bflag:$0x0] =	sbarrier.arrive $0xFFFF  }
0x2d: {  	[tilespmem:s4], [sflag:$0x7] =	stream.linear.gather [hbm4b:s5+s4], $0x2710, $0x38;
	[tilespmem:$0x1BCB0] =	vst v63  }
0x2e: {  	_ =	swait.ge [sflag:s13], $0x2710  }
0x2f: {  	[sflag:s13] =	ssyncset.done $0x0  }
0x30: {  	[sflag:s13] =	ssyncadd.s32 $0xFFFFD8F0  }
0x31: {  	[tilespmem:s14], [sflag:$0x5] =	stream.linear.gather [hbm4b:s6+s4], $0x50, $0x38;
	[tilespmem:$0x1BCB0] =	vst v63  }
0x32: {  	_ = 	snop  }
0x33: {  	[tilespmem:s16], [sflag:$0x1] =	stream.indirect.gather [hbm4b:s1+s15], $0x80, s4, s15, $0xb8;
	[tilespmem:$0x1BCB0] =	vst v63  }
0x34: {  	s0 =	simm.s32 $0x2760  }
0x35: {  	[tilespmem:s0], [sflag:$0x6] =	stream.linear.gather [hbm4b:s7+s4], $0x50, $0x38;
	[tilespmem:$0x1BCB0] =	vst v63  }
0x36: {  	_ = 	snop  }
0x37: {  	[tilespmem:s18], [sflag:$0x2] =	stream.indirect.gather [hbm4b:s1+s15], $0x80, s15, s15, $0xb8;
	[tilespmem:$0x1BCB0] =	vst v63  }
0x38: {  	_ =	swait.ge [sflag:s19], $0x2800  }
0x39: {  	[sflag:s19] =	ssyncset.done $0x0  }
0x3a: {  	s2 =	simm.s32 $0x2;
	[sflag:s19] =	ssyncadd.s32 $0xFFFFD800  }
0x3b: {  	s25 =	simm.s32 $0xA0;
	s2 =	sand.u32 $0x1, s2;
	_ =	swait.ge [sflag:s20], $0x50  }
0x3c: {  	s29 =	simm.s32 $0x1;
	s28 =	smul.u32 $0x140, s2;
	[sflag:s20] =	ssyncset.done $0x0  }
0x3d: {  	s26 =	sadd.s32 $0x3, s2;
	s30 =	smul.u32 $0xA000, s2;
	[sflag:s20] =	ssyncadd.s32 $0xFFFFFFB0  }
0x3e: {  	[spmem:s3] =	stream.indirect.scatter.add.f32 [tilespmem:s16], [sflag:$0x3], $0x80, s14, s15, $0xb8;
	[tilespmem:$0x1BCB0] =	vst v63  }
0x3f: {  	s31 =	sadd.s32 $0x5, s2;
	s28 =	sshrl.u32 s28, $0x2;
	_ =	swait.ge [sflag:s26], $0x2800  }
0x40: {  	s2 =	sadd.s32 $0x1, s2;
	s17 =	sadd.s32 $0x2710, s28;
	[sflag:s26] =	ssyncset.done $0x0  }
0x41: {  	s28 =	sshrl.u32 s30, $0x2;
	s30 =	sand.u32 $0x1, s29;
	[sflag:s26] =	ssyncadd.s32 $0xFFFFD800  }
0x42: {  	[tilespmem:s17], [sflag:s31] =	stream.linear.gather [hbm4b:s11+s4], $0x50, $0x38;
	[tilespmem:$0x1BCB0] =	vst v63  }
0x43: {  	s29 =	simm.s32 $0x3;
	s0 =	sadd.s32 $0x27B0, s28;
	s17 =	sadd.s32 $0x1, s30  }
0x44: {  	[tilespmem:s0], [sflag:s2] =	stream.indirect.gather [hbm4b:s1+s15], $0x80, s25, s15, $0xb8;
	[tilespmem:$0x1BCB0] =	vst v63  }
0x45: {  	s28 =	sadd.s32 $0x5, s30;
	s31 =	smul.u32 $0x140, s30;
	_ =	swait.ge [sflag:s17], $0x2800  }
0x46: {  	s26 =	simm.s32 $0xF0;
	s0 =	smul.u32 $0xA000, s30;
	[sflag:s17] =	ssyncset.done $0x0  }
0x47: {  	s25 =	sadd.s32 $0xA, s11;
	s30 =	sadd.s32 $0x3, s30;
	[sflag:s17] =	ssyncadd.s32 $0xFFFFD800  }
0x48: {  	s0 =	sshrl.u32 s0, $0x2;
	s17 =	sshrl.u32 s31, $0x2;
	_ =	swait.ge [sflag:s28], $0x50  }
0x49: {  	s31 =	sadd.s32 $0x27B0, s0;
	s2 =	sadd.s32 $0x2710, s17;
	[sflag:s28] =	ssyncset.done $0x0  }
.LBB2_6:
0x4a: {  	s0 =	sand.u32 $0x1, s29  }
0x4b: {  	[sflag:s28] =	ssyncadd.s32 $0xFFFFFFB0;
	s28 =	smov.u32 s29;
	s17 =	sadd.s32 $0x1, s29  }
0x4c: {  	[spmem:s3] =	stream.indirect.scatter.add.f32 [tilespmem:s31], [sflag:s30], $0x80, s2, s15, $0xb8;
	[tilespmem:$0x1BCB0] =	vst v63  }
0x4d: {  	p0 =	sne.s32 s29, $0x7C;
	s2 =	sadd.s32 $0x3, s0;
	s30 =	smul.u32 $0x140, s0  }
0x4e: {  	s28 =	sadd.s32 $0xFFFFFFFF, s28;
	s29 =	smul.u32 $0xA000, s0;
	_ =	swait.ge [sflag:s2], $0x2800  }
0x4f: {  	s31 =	sadd.s32 $0x5, s0;
	s30 =	sshrl.u32 s30, $0x2;
	[sflag:s2] =	ssyncset.done $0x0  }
0x50: {  	s29 =	sshrl.u32 s29, $0x2;
	[sflag:s2] =	ssyncadd.s32 $0xFFFFD800;
	s2 =	sadd.s32 $0x2710, s30  }
0x51: {  	[tilespmem:s2], [sflag:s31] =	stream.linear.gather [hbm4b:s25+s4], $0x50, $0x38;
	[tilespmem:$0x1BCB0] =	vst v63  }
0x52: {  	s0 =	sadd.s32 $0x1, s0;
	s2 =	sadd.s32 $0x27B0, s29;
	s29 =	sand.u32 $0x1, s28  }
0x53: {  	[tilespmem:s2], [sflag:s0] =	stream.indirect.gather [hbm4b:s1+s15], $0x80, s26, s15, $0xb8;
	[tilespmem:$0x1BCB0] =	vst v63  }
0x54: {  	s25 =	sadd.s32 $0xA, s25;
	s0 =	smul.u32 $0xA000, s29;
	s2 =	sadd.s32 $0x1, s29  }
.Ltmp2:
0x55: {  	s28 =	sadd.s32 $0x5, s29;
	_ =	swait.ge [sflag:s2], $0x2800;
	(pc) =	sbr.rel @p0 .LBB2_6-.Ltmp2, $4  }
0x56: {  	s30 =	smul.u32 $0x140, s29;
	s0 =	sshrl.u32 s0, $0x2;
	[sflag:s2] =	ssyncset.done $0x0  }
0x57: {  	s26 =	sadd.s32 $0x50, s26;
	s31 =	sadd.s32 $0x27B0, s0;
	[sflag:s2] =	ssyncadd.s32 $0xFFFFD800  }
0x58: {  	s2 =	sshrl.u32 s30, $0x2;
	s30 =	sadd.s32 $0x3, s29;
	_ =	swait.ge [sflag:s28], $0x50  }
0x59: {  	s29 =	smov.u32 s17;
	s2 =	sadd.s32 $0x2710, s2;
	[sflag:s28] =	ssyncset.done $0x0  }
0x5a: {  	[sflag:s28] =	ssyncadd.s32 $0xFFFFFFB0  }
0x5b: {  	[spmem:s3] =	stream.indirect.scatter.add.f32 [tilespmem:s31], [sflag:s30], $0x80, s2, s15, $0xb8;
	[tilespmem:$0x1BCB0] =	vst v63  }
0x5c: {  	_ =	swait.ge [sflag:s21], $0x2800  }
0x5d: {  	[sflag:s21] =	ssyncset.done $0x0  }
0x5e: {  	[sflag:s21] =	ssyncadd.s32 $0xFFFFD800  }
0x5f: {  	_ =	swait.ge [sflag:s19], $0x2800  }
0x60: {  	[sflag:s19] =	ssyncset.done $0x0  }
0x61: {  	[sflag:s19] =	ssyncadd.s32 $0xFFFFD800  }
0x62: {  	_ =	swait.ge [sflag:s20], $0x50  }
0x63: {  	[sflag:s20] =	ssyncset.done $0x0  }
0x64: {  	[sflag:s20] =	ssyncadd.s32 $0xFFFFFFB0  }
0x65: {  	[spmem:s3] =	stream.indirect.scatter.add.f32 [tilespmem:s16], [sflag:$0x3], $0x80, s14, s15, $0xb8;
	[tilespmem:$0x1BCB0] =	vst v63  }
0x66: {  	_ =	swait.ge [sflag:s22], $0x2800  }
0x67: {  	s0 =	stileid.u32;
	s24 =	sadd.s32 $0x1, s24;
	[sflag:s22] =	ssyncset.done $0x0  }
0x68: {  	s0 =	sshll.u32 s0, $0x6;
	p0 =	sne.s32 s24, s9;
	[sflag:s22] =	ssyncadd.s32 $0xFFFFD800  }
.Ltmp3:
0x69: {  	s0 =	sor.u32 $0x1C07, s0;
	[bflag:$0x0] =	sbarrier.arrive $0xFFFF;
	(pc) =	sbr.rel @p0 .LBB2_1-.Ltmp3, $4  }
0x6a: {  	[hbm:s8], [sflag:s0] =	dma.local [spmem:s23], $0x2710  }
0x6b: {  	_ =	swait.ge [sflag:s13], $0x2710  }
0x6c: {  	[sflag:s13] =	ssyncset.done $0x0  }
0x6d: {  	[sflag:s13] =	ssyncadd.s32 $0xFFFFD8F0  }
0x6e: {  	_ =	sfence.sel $0x180000  }
0x6f: {  	[bflag:$0x0] =	sbarrier.arrive $0xFFFF  }
0x70: {  	_ =	strace $0x9000004A  }
0x71: {  	s0 =	stileid.u32;
	[bflag:$0x2] =	sbarrier.arrive $0xFFFF  }
0x72: {  	p0 =	sne.s32 s0, $0x0;
	s0 =	rddreg [dreg:$0x3]  }
0x73: {  	s0 =	sadd.s32 @!p0 $0x100000, s0  }
0x74: {  	[sflag:s0] =	ssyncadd.tile.s32 @!p0 $0x1;
	_ =	shalt  }
.Lfunc_end2:
_tile_overlayer_lowered:
.L_overlay_start_2:
0x75: {  	(tag) =	ssettag $0x2  }
0x76: {  	s0 =	rddreg [dreg:$0x0];
	s2 =	stileid.u32  }
0x77: {  	s1 =	rddreg [dreg:$0x1];
	p0 =	sne.s32 s2, $0x0  }
0x78: {  	s3 =	rddreg [dreg:$0x2];
	[bflag:$0x3] =	sbarrier.arrive $0xFFFF;
	s2 =	simm.s32 @!p0 $0x1C07  }
0x79: {  	[timem:s3], [sflag:s2] =	dma.local @!p0 [hbm:s0], s1  }
0x7a: {  	s0 =	simm.s32 @!p0 $0x7  }
0x7b: {  	_ =	swait.ge @!p0 [sflag:s0], s1  }
0x7c: {  	s1 =	ssub.s32 @!p0 $0x0, s1;
	[sflag:s0] =	ssyncset.done @!p0 $0x0  }
0x7d: {  	[sflag:s0] =	ssyncadd.s32 @!p0 s1  }
0x7e: {  	[bflag:$0x3] =	sbarrier.arrive $0xFFFF  }
0x7f: {  	_ =	shalt  }

</sc_bundles>
